<compile_context>
chip_gen: v7x
topology: tpu7x:2x2x1
jax: 0.10.2.dev20260603
libtpu: 0.0.44.dev20260713+nightly
codegen_flags: <defaults>
</compile_context>

<pallas_src>
import functools

import jax
import jax.numpy as jnp
from jax import lax
from jax.experimental import pallas as pl
from jax.experimental.pallas import tpu as pltpu
from jax.experimental.pallas import tpu_sc as plsc

_N = 2048
_H = 8
_K = 8192
_DH = 128

_W = 512
_G = _K // _W

_NC = 2
_NS = 16
_NW = _NC * _NS
_ROWS = _N * _H
_RPW = _ROWS // _NW
_GCH = 128
_NCH = _RPW // _GCH


def _argmin_body(x_ref, cb_ref, cbsq_ref, xsq_ref, out_ref):
    h = pl.program_id(0)
    m = jnp.full((_N, _W), jnp.inf, jnp.float32)
    e = jnp.zeros((_N, _W), jnp.int32)
    lane = lax.broadcasted_iota(jnp.int32, (1, _W), 1)
    xm = x_ref[...] * -2.0
    for g in range(_G):
        dots2 = lax.dot_general(
            xm, cb_ref[0, g * _W:(g + 1) * _W, :],
            (((1,), (1,)), ((), ())),
            preferred_element_type=jnp.float32,
        )
        d = (xsq_ref[0] + dots2) + cbsq_ref[0, :, g * _W:(g + 1) * _W]
        cond = d < m
        e = jnp.where(cond, lane + g * _W, e)
        m = jnp.minimum(m, d)
    minval = jnp.min(m, axis=1, keepdims=True)
    idx = jnp.min(jnp.where(m == minval, e, _K), axis=1, keepdims=True)
    hcol = lax.broadcasted_iota(jnp.int32, (1, _H), 1)
    out_ref[...] = jnp.where(hcol == h, idx + h * _K, out_ref[...])


def _tc_argmin(x2dm, codebook, cb_sq, x_sq, interpret=False):
    return pl.pallas_call(
        _argmin_body,
        grid=(_H,),
        in_specs=[
            pl.BlockSpec((_N, _DH), lambda h: (0, h)),
            pl.BlockSpec((1, _K, _DH), lambda h: (h, 0, 0)),
            pl.BlockSpec((1, 1, _K), lambda h: (h, 0, 0)),
            pl.BlockSpec((1, _N, 1), lambda h: (h, 0, 0)),
        ],
        out_specs=pl.BlockSpec((_N, _H), lambda h: (0, 0)),
        out_shape=jax.ShapeDtypeStruct((_N, _H), jnp.int32),
        interpret=interpret,
    )(x2dm, codebook, cb_sq, x_sq)


def _sc_gather_body(table_hbm, idx_hbm, out_hbm, list_v, rows_v, sem):
    wid = lax.axis_index("s") * _NC + lax.axis_index("c")
    base = wid * _RPW
    pltpu.sync_copy(idx_hbm.at[pl.ds(wid * _NCH, _NCH)], list_v)
    for c in range(_NCH):
        pltpu.async_copy(table_hbm.at[list_v.at[c]], rows_v, sem).wait()
        pltpu.sync_copy(rows_v, out_hbm.at[pl.ds(base + c * _GCH, _GCH)])


@functools.lru_cache(maxsize=1)
def _sc_gather():
    return pl.kernel(
        _sc_gather_body,
        out_type=jax.ShapeDtypeStruct((_ROWS, _DH), jnp.float32),
        mesh=plsc.VectorSubcoreMesh(
            core_axis_name="c", subcore_axis_name="s",
            num_cores=_NC, num_subcores=_NS),
        scratch_types=[
            pltpu.VMEM((_NCH, _GCH), jnp.int32),
            pltpu.VMEM((_GCH, _DH), jnp.float32),
            pltpu.SemaphoreType.DMA,
        ],
    )


def kernel(x, mask, token_type_ids, key_optim, codebook, values):
    b, n, dim = x.shape
    h, k, dh = codebook.shape
    x2d = x.reshape(b * n, dim)
    xh = x.reshape(b * n, h, dh)
    x_sq = jnp.sum(xh * xh, axis=-1)
    cb_sq = jnp.sum(codebook * codebook, axis=-1)

    idx = _tc_argmin(
        x2d, codebook,
        cb_sq.reshape(h, 1, k),
        x_sq.T.reshape(h, b * n, 1),
    )

    idx2d = idx.reshape(_ROWS // _GCH, _GCH)
    rows = _sc_gather()(values.reshape(h * k, dh), idx2d)
    return rows.reshape(b, n, h * dh)

# --- scband reference (transcript-rebuilt; emitter-appended) ---
"""Pipeline reference for scband-discrete-key-value-bottleneck-22153441313348 (READ-ONLY COPY).

The authoritative reference and input builder live on the scoring server;
editing this copy changes nothing except your own understanding.
"""

import jax, jax.numpy as jnp
import numpy as np

B, N, DIM = 1, 2048, 1024
H = 8            # num_memory_codebooks
K = 8192         # num_memories (codebook size)
DH = DIM // H    # heads_dim / dim_memory = 128


def setup_inputs(seed: int = 0) -> dict:
    key = jax.random.key(seed)
    k1, k2, k3 = jax.random.split(key, 3)
    x = jax.random.normal(k1, (B, N, DIM), dtype=jnp.float32)
    mask = jnp.ones((B, N), dtype=jnp.int32)
    token_type_ids = jnp.zeros((B, N), dtype=jnp.int32)
    key_optim = 0  # falsy -> inference path
    # learned params: per-head VQ codebook keys and the value memories
    codebook = jax.random.normal(k2, (H, K, DH), dtype=jnp.float32)
    values = jax.random.normal(k3, (H, K, DH), dtype=jnp.float32)
    return {"x": x, "mask": mask, "token_type_ids": token_type_ids,
            "key_optim": key_optim, "codebook": codebook, "values": values}


def reference(x, mask, token_type_ids, key_optim, codebook, values):
    # encoder is None -> x used directly
    b, n, dim = x.shape
    h, k, dh = codebook.shape
    # --- VectorQuantize (inference): per-head nearest-code lookup ---
    xh = x.reshape(b, n, h, dh)
    x_sq = jnp.sum(xh * xh, axis=-1, keepdims=True)              # [b,n,h,1]
    cb_sq = jnp.sum(codebook * codebook, axis=-1)                # [h,k]
    dots = jnp.einsum('bnhd,hkd->bnhk', xh, codebook)            # [b,n,h,k]
    dist = x_sq - 2.0 * dots + cb_sq[None, None, :, :]           # [b,n,h,k]
    memory_indices = jnp.argmin(dist, axis=-1)                   # [b,n,h]
    # quantized keys (returned by vq; not used downstream of gather)
    head_ids = jnp.arange(h)
    quantized = codebook[head_ids[None, None, :], memory_indices]  # [b,n,h,dh]
    # --- gather value memories per selected code ---
    memories = values[head_ids[None, None, :], memory_indices]     # [b,n,h,dh]
    flattened_memories = memories.reshape(b, n, h * dh)            # 'b h n d -> b n (h d)'
    return flattened_memories

if __name__ == "__main__":
    import jax
    _d = setup_inputs()
    print(jax.jit(kernel)(*tuple(_d.values())))

</pallas_src>

<mosaic_0001>
#map = affine_map<(d0, d1) -> (0, 0)>
module attributes {stable_mosaic.version = 14 : i64} {
  func.func @_sc_gather_body(%arg0: i32, %arg1: i32, %arg2: memref<65536x128xf32, #tpu.memory_space<hbm>>, %arg3: memref<128x128xi32, #tpu.memory_space<hbm>>, %arg4: memref<16384x128xf32, #tpu.memory_space<hbm>>, %arg5: memref<4x128xi32, #tpu.memory_space<vmem>>, %arg6: memref<128x128xf32, #tpu.memory_space<vmem>>, %arg7: memref<!tpu.dma_semaphore, #tpu.memory_space<semaphore_mem>>) attributes {dimension_semantics = [#tpu.dimension_semantics<core_parallel>, #tpu.dimension_semantics<subcore_parallel>], iteration_bounds = array<i64: 2, 16>, scalar_prefetch = 0 : i64, scratch_operands = 3 : i64, tpu.core_type = #tpu.core_type<sc_vector_subcore>, window_params = [{transform_indices = #map}, {transform_indices = #map}, {transform_indices = #map}]} {
    %mul3A = arith.constant 2 : i32
    %mul3A_0 = arith.muli %arg1, %mul3A : i32
    %add3A = arith.addi %mul3A_0, %arg0 : i32
    %mul3A_1 = arith.constant 512 : i32
    %mul3A_2 = arith.muli %add3A, %mul3A_1 : i32
    %mul3A_3 = arith.constant 4 : i32
    %mul3A_4 = arith.muli %add3A, %mul3A_3 : i32
    "tpu.region"() ({
      %run_scoped3A = tpu.sem_alloc : memref<!tpu.dma_semaphore, #tpu.memory_space<semaphore_mem>>
      %dma_start3A_67 = arith.constant 0 : i32
      %dma_start3A_68 = tpu.memref_slice %arg3[%mul3A_4, %dma_start3A_67] : memref<128x128xi32, #tpu.memory_space<hbm>> -> memref<4x128xi32, #tpu.memory_space<hbm>>
      %dma_start3A_69 = arith.constant 0 : i32
      %dma_start3A_70 = tpu.memref_slice %arg3[%mul3A_4, %dma_start3A_69] : memref<128x128xi32, #tpu.memory_space<hbm>> -> memref<4x128xi32, #tpu.memory_space<hbm>>
      tpu.enqueue_dma source(%dma_start3A_70 : memref<4x128xi32, #tpu.memory_space<hbm>>) target(%arg5 : memref<4x128xi32, #tpu.memory_space<vmem>>) target_semaphore(%run_scoped3A : memref<!tpu.dma_semaphore, #tpu.memory_space<semaphore_mem>>)
      %dma_wait3A_71 = arith.constant 0 : i32
      %dma_wait3A_72 = tpu.memref_slice %arg3[%mul3A_4, %dma_wait3A_71] : memref<128x128xi32, #tpu.memory_space<hbm>> -> memref<4x128xi32, #tpu.memory_space<hbm>>
      %dma_wait3A_73 = arith.constant 0 : i32
      %dma_wait3A_74 = tpu.memref_slice %arg3[%mul3A_4, %dma_wait3A_73] : memref<128x128xi32, #tpu.memory_space<hbm>> -> memref<4x128xi32, #tpu.memory_space<hbm>>
      tpu.wait_dma2 semaphore(%run_scoped3A : memref<!tpu.dma_semaphore, #tpu.memory_space<semaphore_mem>>) src(%dma_wait3A_74 : memref<4x128xi32, #tpu.memory_space<hbm>>) dst(%arg5 : memref<4x128xi32, #tpu.memory_space<vmem>>)
      tpu.yield
    }) : () -> ()
    %dma_start3A = arith.constant 0 : i32
    %dma_start3A_5 = arith.constant 0 : i32
    %dma_start3A_6 = tpu.memref_slice %arg5[%dma_start3A, %dma_start3A_5] : memref<4x128xi32, #tpu.memory_space<vmem>> -> memref<1x128xi32, #tpu.memory_space<vmem>>
    %dma_start3A_7 = tpu.memref_squeeze %dma_start3A_6 : memref<1x128xi32, #tpu.memory_space<vmem>> -> memref<128xi32, #tpu.memory_space<vmem>>
    %dma_start3A_8 = arith.constant 0 : i32
    %dma_start3A_9 = arith.constant 0 : i32
    %dma_start3A_10 = tpu.memref_slice %arg2[%dma_start3A_8, %dma_start3A_9] : memref<65536x128xf32, #tpu.memory_space<hbm>> -> memref<65536x128xf32, #tpu.memory_space<hbm>>
    tpu.enqueue_indirect_dma source(%dma_start3A_10 : memref<65536x128xf32, #tpu.memory_space<hbm>>) target(%arg6 : memref<128x128xf32, #tpu.memory_space<vmem>>) offsets(%dma_start3A_7 : memref<128xi32, #tpu.memory_space<vmem>>) semaphore(%arg7 : memref<!tpu.dma_semaphore, #tpu.memory_space<semaphore_mem>>)
    %dma_wait3A = arith.constant 0 : i32
    %dma_wait3A_11 = arith.constant 0 : i32
    %dma_wait3A_12 = tpu.memref_slice %arg5[%dma_wait3A, %dma_wait3A_11] : memref<4x128xi32, #tpu.memory_space<vmem>> -> memref<1x128xi32, #tpu.memory_space<vmem>>
    %dma_wait3A_13 = tpu.memref_squeeze %dma_wait3A_12 : memref<1x128xi32, #tpu.memory_space<vmem>> -> memref<128xi32, #tpu.memory_space<vmem>>
    %dma_wait3A_14 = arith.constant 0 : i32
    %dma_wait3A_15 = arith.constant 0 : i32
    %dma_wait3A_16 = tpu.memref_slice %arg2[%dma_wait3A_14, %dma_wait3A_15] : memref<65536x128xf32, #tpu.memory_space<hbm>> -> memref<65536x128xf32, #tpu.memory_space<hbm>>
    tpu.wait_indirect_dma semaphore(%arg7 : memref<!tpu.dma_semaphore, #tpu.memory_space<semaphore_mem>>) src(%dma_wait3A_16 : memref<65536x128xf32, #tpu.memory_space<hbm>>) dst(%arg6 : memref<128x128xf32, #tpu.memory_space<vmem>>)
    %add3A_17 = arith.constant 0 : i32
    %add3A_18 = arith.addi %mul3A_2, %add3A_17 : i32
    "tpu.region"() ({
      %run_scoped3A = tpu.sem_alloc : memref<!tpu.dma_semaphore, #tpu.memory_space<semaphore_mem>>
      %dma_start3A_67 = arith.constant 0 : i32
      %dma_start3A_68 = tpu.memref_slice %arg4[%add3A_18, %dma_start3A_67] : memref<16384x128xf32, #tpu.memory_space<hbm>> -> memref<128x128xf32, #tpu.memory_space<hbm>>
      %dma_start3A_69 = arith.constant 0 : i32
      %dma_start3A_70 = tpu.memref_slice %arg4[%add3A_18, %dma_start3A_69] : memref<16384x128xf32, #tpu.memory_space<hbm>> -> memref<128x128xf32, #tpu.memory_space<hbm>>
      tpu.enqueue_dma source(%arg6 : memref<128x128xf32, #tpu.memory_space<vmem>>) target(%dma_start3A_70 : memref<128x128xf32, #tpu.memory_space<hbm>>) target_semaphore(%run_scoped3A : memref<!tpu.dma_semaphore, #tpu.memory_space<semaphore_mem>>)
      %dma_wait3A_71 = arith.constant 0 : i32
      %dma_wait3A_72 = tpu.memref_slice %arg4[%add3A_18, %dma_wait3A_71] : memref<16384x128xf32, #tpu.memory_space<hbm>> -> memref<128x128xf32, #tpu.memory_space<hbm>>
      %dma_wait3A_73 = arith.constant 0 : i32
      %dma_wait3A_74 = tpu.memref_slice %arg4[%add3A_18, %dma_wait3A_73] : memref<16384x128xf32, #tpu.memory_space<hbm>> -> memref<128x128xf32, #tpu.memory_space<hbm>>
      tpu.wait_dma2 semaphore(%run_scoped3A : memref<!tpu.dma_semaphore, #tpu.memory_space<semaphore_mem>>) src(%arg6 : memref<128x128xf32, #tpu.memory_space<vmem>>) dst(%dma_wait3A_74 : memref<128x128xf32, #tpu.memory_space<hbm>>)
      tpu.yield
    }) : () -> ()
    %dma_start3A_19 = arith.constant 1 : i32
    %dma_start3A_20 = arith.constant 0 : i32
    %dma_start3A_21 = tpu.memref_slice %arg5[%dma_start3A_19, %dma_start3A_20] : memref<4x128xi32, #tpu.memory_space<vmem>> -> memref<1x128xi32, #tpu.memory_space<vmem>>
    %dma_start3A_22 = tpu.memref_squeeze %dma_start3A_21 : memref<1x128xi32, #tpu.memory_space<vmem>> -> memref<128xi32, #tpu.memory_space<vmem>>
    %dma_start3A_23 = arith.constant 0 : i32
    %dma_start3A_24 = arith.constant 0 : i32
    %dma_start3A_25 = tpu.memref_slice %arg2[%dma_start3A_23, %dma_start3A_24] : memref<65536x128xf32, #tpu.memory_space<hbm>> -> memref<65536x128xf32, #tpu.memory_space<hbm>>
    tpu.enqueue_indirect_dma source(%dma_start3A_25 : memref<65536x128xf32, #tpu.memory_space<hbm>>) target(%arg6 : memref<128x128xf32, #tpu.memory_space<vmem>>) offsets(%dma_start3A_22 : memref<128xi32, #tpu.memory_space<vmem>>) semaphore(%arg7 : memref<!tpu.dma_semaphore, #tpu.memory_space<semaphore_mem>>)
    %dma_wait3A_26 = arith.constant 1 : i32
    %dma_wait3A_27 = arith.constant 0 : i32
    %dma_wait3A_28 = tpu.memref_slice %arg5[%dma_wait3A_26, %dma_wait3A_27] : memref<4x128xi32, #tpu.memory_space<vmem>> -> memref<1x128xi32, #tpu.memory_space<vmem>>
    %dma_wait3A_29 = tpu.memref_squeeze %dma_wait3A_28 : memref<1x128xi32, #tpu.memory_space<vmem>> -> memref<128xi32, #tpu.memory_space<vmem>>
    %dma_wait3A_30 = arith.constant 0 : i32
    %dma_wait3A_31 = arith.constant 0 : i32
    %dma_wait3A_32 = tpu.memref_slice %arg2[%dma_wait3A_30, %dma_wait3A_31] : memref<65536x128xf32, #tpu.memory_space<hbm>> -> memref<65536x128xf32, #tpu.memory_space<hbm>>
    tpu.wait_indirect_dma semaphore(%arg7 : memref<!tpu.dma_semaphore, #tpu.memory_space<semaphore_mem>>) src(%dma_wait3A_32 : memref<65536x128xf32, #tpu.memory_space<hbm>>) dst(%arg6 : memref<128x128xf32, #tpu.memory_space<vmem>>)
    %add3A_33 = arith.constant 128 : i32
    %add3A_34 = arith.addi %mul3A_2, %add3A_33 : i32
    "tpu.region"() ({
      %run_scoped3A = tpu.sem_alloc : memref<!tpu.dma_semaphore, #tpu.memory_space<semaphore_mem>>
      %dma_start3A_67 = arith.constant 0 : i32
      %dma_start3A_68 = tpu.memref_slice %arg4[%add3A_34, %dma_start3A_67] : memref<16384x128xf32, #tpu.memory_space<hbm>> -> memref<128x128xf32, #tpu.memory_space<hbm>>
      %dma_start3A_69 = arith.constant 0 : i32
      %dma_start3A_70 = tpu.memref_slice %arg4[%add3A_34, %dma_start3A_69] : memref<16384x128xf32, #tpu.memory_space<hbm>> -> memref<128x128xf32, #tpu.memory_space<hbm>>
      tpu.enqueue_dma source(%arg6 : memref<128x128xf32, #tpu.memory_space<vmem>>) target(%dma_start3A_70 : memref<128x128xf32, #tpu.memory_space<hbm>>) target_semaphore(%run_scoped3A : memref<!tpu.dma_semaphore, #tpu.memory_space<semaphore_mem>>)
      %dma_wait3A_71 = arith.constant 0 : i32
      %dma_wait3A_72 = tpu.memref_slice %arg4[%add3A_34, %dma_wait3A_71] : memref<16384x128xf32, #tpu.memory_space<hbm>> -> memref<128x128xf32, #tpu.memory_space<hbm>>
      %dma_wait3A_73 = arith.constant 0 : i32
      %dma_wait3A_74 = tpu.memref_slice %arg4[%add3A_34, %dma_wait3A_73] : memref<16384x128xf32, #tpu.memory_space<hbm>> -> memref<128x128xf32, #tpu.memory_space<hbm>>
      tpu.wait_dma2 semaphore(%run_scoped3A : memref<!tpu.dma_semaphore, #tpu.memory_space<semaphore_mem>>) src(%arg6 : memref<128x128xf32, #tpu.memory_space<vmem>>) dst(%dma_wait3A_74 : memref<128x128xf32, #tpu.memory_space<hbm>>)
      tpu.yield
    }) : () -> ()
    %dma_start3A_35 = arith.constant 2 : i32
    %dma_start3A_36 = arith.constant 0 : i32
    %dma_start3A_37 = tpu.memref_slice %arg5[%dma_start3A_35, %dma_start3A_36] : memref<4x128xi32, #tpu.memory_space<vmem>> -> memref<1x128xi32, #tpu.memory_space<vmem>>
    %dma_start3A_38 = tpu.memref_squeeze %dma_start3A_37 : memref<1x128xi32, #tpu.memory_space<vmem>> -> memref<128xi32, #tpu.memory_space<vmem>>
    %dma_start3A_39 = arith.constant 0 : i32
    %dma_start3A_40 = arith.constant 0 : i32
    %dma_start3A_41 = tpu.memref_slice %arg2[%dma_start3A_39, %dma_start3A_40] : memref<65536x128xf32, #tpu.memory_space<hbm>> -> memref<65536x128xf32, #tpu.memory_space<hbm>>
    tpu.enqueue_indirect_dma source(%dma_start3A_41 : memref<65536x128xf32, #tpu.memory_space<hbm>>) target(%arg6 : memref<128x128xf32, #tpu.memory_space<vmem>>) offsets(%dma_start3A_38 : memref<128xi32, #tpu.memory_space<vmem>>) semaphore(%arg7 : memref<!tpu.dma_semaphore, #tpu.memory_space<semaphore_mem>>)
    %dma_wait3A_42 = arith.constant 2 : i32
    %dma_wait3A_43 = arith.constant 0 : i32
    %dma_wait3A_44 = tpu.memref_slice %arg5[%dma_wait3A_42, %dma_wait3A_43] : memref<4x128xi32, #tpu.memory_space<vmem>> -> memref<1x128xi32, #tpu.memory_space<vmem>>
    %dma_wait3A_45 = tpu.memref_squeeze %dma_wait3A_44 : memref<1x128xi32, #tpu.memory_space<vmem>> -> memref<128xi32, #tpu.memory_space<vmem>>
    %dma_wait3A_46 = arith.constant 0 : i32
    %dma_wait3A_47 = arith.constant 0 : i32
    %dma_wait3A_48 = tpu.memref_slice %arg2[%dma_wait3A_46, %dma_wait3A_47] : memref<65536x128xf32, #tpu.memory_space<hbm>> -> memref<65536x128xf32, #tpu.memory_space<hbm>>
    tpu.wait_indirect_dma semaphore(%arg7 : memref<!tpu.dma_semaphore, #tpu.memory_space<semaphore_mem>>) src(%dma_wait3A_48 : memref<65536x128xf32, #tpu.memory_space<hbm>>) dst(%arg6 : memref<128x128xf32, #tpu.memory_space<vmem>>)
    %add3A_49 = arith.constant 256 : i32
    %add3A_50 = arith.addi %mul3A_2, %add3A_49 : i32
    "tpu.region"() ({
      %run_scoped3A = tpu.sem_alloc : memref<!tpu.dma_semaphore, #tpu.memory_space<semaphore_mem>>
      %dma_start3A_67 = arith.constant 0 : i32
      %dma_start3A_68 = tpu.memref_slice %arg4[%add3A_50, %dma_start3A_67] : memref<16384x128xf32, #tpu.memory_space<hbm>> -> memref<128x128xf32, #tpu.memory_space<hbm>>
      %dma_start3A_69 = arith.constant 0 : i32
      %dma_start3A_70 = tpu.memref_slice %arg4[%add3A_50, %dma_start3A_69] : memref<16384x128xf32, #tpu.memory_space<hbm>> -> memref<128x128xf32, #tpu.memory_space<hbm>>
      tpu.enqueue_dma source(%arg6 : memref<128x128xf32, #tpu.memory_space<vmem>>) target(%dma_start3A_70 : memref<128x128xf32, #tpu.memory_space<hbm>>) target_semaphore(%run_scoped3A : memref<!tpu.dma_semaphore, #tpu.memory_space<semaphore_mem>>)
      %dma_wait3A_71 = arith.constant 0 : i32
      %dma_wait3A_72 = tpu.memref_slice %arg4[%add3A_50, %dma_wait3A_71] : memref<16384x128xf32, #tpu.memory_space<hbm>> -> memref<128x128xf32, #tpu.memory_space<hbm>>
      %dma_wait3A_73 = arith.constant 0 : i32
      %dma_wait3A_74 = tpu.memref_slice %arg4[%add3A_50, %dma_wait3A_73] : memref<16384x128xf32, #tpu.memory_space<hbm>> -> memref<128x128xf32, #tpu.memory_space<hbm>>
      tpu.wait_dma2 semaphore(%run_scoped3A : memref<!tpu.dma_semaphore, #tpu.memory_space<semaphore_mem>>) src(%arg6 : memref<128x128xf32, #tpu.memory_space<vmem>>) dst(%dma_wait3A_74 : memref<128x128xf32, #tpu.memory_space<hbm>>)
      tpu.yield
    }) : () -> ()
    %dma_start3A_51 = arith.constant 3 : i32
    %dma_start3A_52 = arith.constant 0 : i32
    %dma_start3A_53 = tpu.memref_slice %arg5[%dma_start3A_51, %dma_start3A_52] : memref<4x128xi32, #tpu.memory_space<vmem>> -> memref<1x128xi32, #tpu.memory_space<vmem>>
    %dma_start3A_54 = tpu.memref_squeeze %dma_start3A_53 : memref<1x128xi32, #tpu.memory_space<vmem>> -> memref<128xi32, #tpu.memory_space<vmem>>
    %dma_start3A_55 = arith.constant 0 : i32
    %dma_start3A_56 = arith.constant 0 : i32
    %dma_start3A_57 = tpu.memref_slice %arg2[%dma_start3A_55, %dma_start3A_56] : memref<65536x128xf32, #tpu.memory_space<hbm>> -> memref<65536x128xf32, #tpu.memory_space<hbm>>
    tpu.enqueue_indirect_dma source(%dma_start3A_57 : memref<65536x128xf32, #tpu.memory_space<hbm>>) target(%arg6 : memref<128x128xf32, #tpu.memory_space<vmem>>) offsets(%dma_start3A_54 : memref<128xi32, #tpu.memory_space<vmem>>) semaphore(%arg7 : memref<!tpu.dma_semaphore, #tpu.memory_space<semaphore_mem>>)
    %dma_wait3A_58 = arith.constant 3 : i32
    %dma_wait3A_59 = arith.constant 0 : i32
    %dma_wait3A_60 = tpu.memref_slice %arg5[%dma_wait3A_58, %dma_wait3A_59] : memref<4x128xi32, #tpu.memory_space<vmem>> -> memref<1x128xi32, #tpu.memory_space<vmem>>
    %dma_wait3A_61 = tpu.memref_squeeze %dma_wait3A_60 : memref<1x128xi32, #tpu.memory_space<vmem>> -> memref<128xi32, #tpu.memory_space<vmem>>
    %dma_wait3A_62 = arith.constant 0 : i32
    %dma_wait3A_63 = arith.constant 0 : i32
    %dma_wait3A_64 = tpu.memref_slice %arg2[%dma_wait3A_62, %dma_wait3A_63] : memref<65536x128xf32, #tpu.memory_space<hbm>> -> memref<65536x128xf32, #tpu.memory_space<hbm>>
    tpu.wait_indirect_dma semaphore(%arg7 : memref<!tpu.dma_semaphore, #tpu.memory_space<semaphore_mem>>) src(%dma_wait3A_64 : memref<65536x128xf32, #tpu.memory_space<hbm>>) dst(%arg6 : memref<128x128xf32, #tpu.memory_space<vmem>>)
    %add3A_65 = arith.constant 384 : i32
    %add3A_66 = arith.addi %mul3A_2, %add3A_65 : i32
    "tpu.region"() ({
      %run_scoped3A = tpu.sem_alloc : memref<!tpu.dma_semaphore, #tpu.memory_space<semaphore_mem>>
      %dma_start3A_67 = arith.constant 0 : i32
      %dma_start3A_68 = tpu.memref_slice %arg4[%add3A_66, %dma_start3A_67] : memref<16384x128xf32, #tpu.memory_space<hbm>> -> memref<128x128xf32, #tpu.memory_space<hbm>>
      %dma_start3A_69 = arith.constant 0 : i32
      %dma_start3A_70 = tpu.memref_slice %arg4[%add3A_66, %dma_start3A_69] : memref<16384x128xf32, #tpu.memory_space<hbm>> -> memref<128x128xf32, #tpu.memory_space<hbm>>
      tpu.enqueue_dma source(%arg6 : memref<128x128xf32, #tpu.memory_space<vmem>>) target(%dma_start3A_70 : memref<128x128xf32, #tpu.memory_space<hbm>>) target_semaphore(%run_scoped3A : memref<!tpu.dma_semaphore, #tpu.memory_space<semaphore_mem>>)
      %dma_wait3A_71 = arith.constant 0 : i32
      %dma_wait3A_72 = tpu.memref_slice %arg4[%add3A_66, %dma_wait3A_71] : memref<16384x128xf32, #tpu.memory_space<hbm>> -> memref<128x128xf32, #tpu.memory_space<hbm>>
      %dma_wait3A_73 = arith.constant 0 : i32
      %dma_wait3A_74 = tpu.memref_slice %arg4[%add3A_66, %dma_wait3A_73] : memref<16384x128xf32, #tpu.memory_space<hbm>> -> memref<128x128xf32, #tpu.memory_space<hbm>>
      tpu.wait_dma2 semaphore(%run_scoped3A : memref<!tpu.dma_semaphore, #tpu.memory_space<semaphore_mem>>) src(%arg6 : memref<128x128xf32, #tpu.memory_space<vmem>>) dst(%dma_wait3A_74 : memref<128x128xf32, #tpu.memory_space<hbm>>)
      tpu.yield
    }) : () -> ()
    return
  }
}

module attributes {stable_mosaic.version = 14 : i64} {
  func.func @_argmin_body(%arg0: i32, %arg1: memref<2048x128xf32, #tpu.memory_space<vmem>>, %arg2: memref<1x8192x128xf32, #tpu.memory_space<vmem>>, %arg3: memref<1x1x8192xf32, #tpu.memory_space<vmem>>, %arg4: memref<1x2048x1xf32, #tpu.memory_space<vmem>>, %arg5: memref<2048x8xi32, #tpu.memory_space<vmem>>) attributes {dimension_semantics = [#tpu.dimension_semantics<arbitrary>], iteration_bounds = array<i64: 8>, scalar_prefetch = 0 : i64, scratch_operands = 0 : i64, tpu.core_type = #tpu.core_type<tc>, window_params = [{transform_indices = @transform_0, window_bounds = array<i64: 2048, 128>}, {transform_indices = @transform_1, window_bounds = array<i64: 1, 8192, 128>}, {transform_indices = @transform_2, window_bounds = array<i64: 1, 1, 8192>}, {transform_indices = @transform_3, window_bounds = array<i64: 1, 2048, 1>}, {pipeline_mode = #tpu.pipeline_mode<synchronous>, transform_indices = @transform_4, window_bounds = array<i64: 2048, 8>}]} {
    %broadcast_in_dim3A = arith.constant 0x7F800000 : f32
    %broadcast_in_dim3A_0 = vector.broadcast %broadcast_in_dim3A : f32 to vector<2048x512xf32>
    %broadcast_in_dim3A_1 = arith.constant 0 : i32
    %broadcast_in_dim3A_2 = vector.broadcast %broadcast_in_dim3A_1 : i32 to vector<2048x512xi32>
    %iota3A = tpu.iota {dimensions = array<i32: 1>} : vector<1x512xi32>
    %get3A = arith.constant 0 : index
    %get3A_3 = arith.constant 0 : index
    %get3A_4 = vector.load %arg1[%get3A, %get3A_3] : memref<2048x128xf32, #tpu.memory_space<vmem>>, vector<2048x128xf32>
    %mul3A = arith.constant -2.000000e+00 : f32
    %mul3A_5 = vector.broadcast %mul3A : f32 to vector<2048x128xf32>
    %mul3A_6 = arith.mulf %get3A_4, %mul3A_5 : vector<2048x128xf32>
    %get3A_7 = arith.constant 0 : index
    %get3A_8 = arith.constant 0 : index
    %get3A_9 = arith.constant 0 : index
    %get3A_10 = vector.load %arg2[%get3A_7, %get3A_8, %get3A_9] : memref<1x8192x128xf32, #tpu.memory_space<vmem>>, vector<1x512x128xf32>
    %get3A_11 = vector.shape_cast %get3A_10 : vector<1x512x128xf32> to vector<512x128xf32>
    %dot_general3A = arith.constant dense<0.000000e+00> : vector<2048x512xf32>
    %dot_general3A_12 = tpu.matmul %mul3A_6, %get3A_11, %dot_general3A {dimension_numbers = #tpu.dot_dimension_numbers<[1], [1], [0], [0], [0, 0, 1, 0], [], []>, transpose_lhs_hint = false} : vector<2048x128xf32>, vector<512x128xf32>, vector<2048x512xf32> -> vector<2048x512xf32>
    %get3A_13 = arith.constant 0 : index
    %get3A_14 = arith.constant 0 : index
    %get3A_15 = arith.constant 0 : index
    %get3A_16 = vector.load %arg4[%get3A_13, %get3A_14, %get3A_15] : memref<1x2048x1xf32, #tpu.memory_space<vmem>>, vector<1x2048x1xf32>
    %get3A_17 = vector.shape_cast %get3A_16 : vector<1x2048x1xf32> to vector<2048x1xf32>
    %add3A = vector.broadcast %get3A_17 : vector<2048x1xf32> to vector<2048x512xf32>
    %add3A_18 = arith.addf %add3A, %dot_general3A_12 : vector<2048x512xf32>
    %get3A_19 = arith.constant 0 : index
    %get3A_20 = arith.constant 0 : index
    %get3A_21 = arith.constant 0 : index
    %get3A_22 = vector.load %arg3[%get3A_19, %get3A_20, %get3A_21] : memref<1x1x8192xf32, #tpu.memory_space<vmem>>, vector<1x1x512xf32>
    %get3A_23 = vector.shape_cast %get3A_22 : vector<1x1x512xf32> to vector<1x512xf32>
    %add3A_24 = vector.broadcast %get3A_23 : vector<1x512xf32> to vector<2048x512xf32>
    %add3A_25 = arith.addf %add3A_18, %add3A_24 : vector<2048x512xf32>
    %lt3A = arith.cmpf olt, %add3A_25, %broadcast_in_dim3A_0 : vector<2048x512xf32>
    %add3A_26 = arith.constant 0 : i32
    %add3A_27 = vector.broadcast %add3A_26 : i32 to vector<1x512xi32>
    %add3A_28 = arith.addi %iota3A, %add3A_27 : vector<1x512xi32>
    %broadcast_in_dim3A_29 = vector.shape_cast %add3A_28 : vector<1x512xi32> to vector<1x512xi32>
    %broadcast_in_dim3A_30 = vector.broadcast %broadcast_in_dim3A_29 : vector<1x512xi32> to vector<2048x512xi32>
    %select_n3A = arith.select %lt3A, %broadcast_in_dim3A_30, %broadcast_in_dim3A_2 : vector<2048x512xi1>, vector<2048x512xi32>
    %min3A = arith.minimumf %broadcast_in_dim3A_0, %add3A_25 : vector<2048x512xf32>
    %get3A_31 = arith.constant 0 : index
    %get3A_32 = arith.constant 512 : index
    %get3A_33 = arith.constant 0 : index
    %get3A_34 = vector.load %arg2[%get3A_31, %get3A_32, %get3A_33] : memref<1x8192x128xf32, #tpu.memory_space<vmem>>, vector<1x512x128xf32>
    %get3A_35 = vector.shape_cast %get3A_34 : vector<1x512x128xf32> to vector<512x128xf32>
    %dot_general3A_36 = arith.constant dense<0.000000e+00> : vector<2048x512xf32>
    %dot_general3A_37 = tpu.matmul %mul3A_6, %get3A_35, %dot_general3A_36 {dimension_numbers = #tpu.dot_dimension_numbers<[1], [1], [0], [0], [0, 0, 1, 0], [], []>, transpose_lhs_hint = false} : vector<2048x128xf32>, vector<512x128xf32>, vector<2048x512xf32> -> vector<2048x512xf32>
    %get3A_38 = arith.constant 0 : index
    %get3A_39 = arith.constant 0 : index
    %get3A_40 = arith.constant 0 : index
    %get3A_41 = vector.load %arg4[%get3A_38, %get3A_39, %get3A_40] : memref<1x2048x1xf32, #tpu.memory_space<vmem>>, vector<1x2048x1xf32>
    %get3A_42 = vector.shape_cast %get3A_41 : vector<1x2048x1xf32> to vector<2048x1xf32>
    %add3A_43 = vector.broadcast %get3A_42 : vector<2048x1xf32> to vector<2048x512xf32>
    %add3A_44 = arith.addf %add3A_43, %dot_general3A_37 : vector<2048x512xf32>
    %get3A_45 = arith.constant 0 : index
    %get3A_46 = arith.constant 0 : index
    %get3A_47 = arith.constant 512 : index
    %get3A_48 = vector.load %arg3[%get3A_45, %get3A_46, %get3A_47] : memref<1x1x8192xf32, #tpu.memory_space<vmem>>, vector<1x1x512xf32>
    %get3A_49 = vector.shape_cast %get3A_48 : vector<1x1x512xf32> to vector<1x512xf32>
    %add3A_50 = vector.broadcast %get3A_49 : vector<1x512xf32> to vector<2048x512xf32>
    %add3A_51 = arith.addf %add3A_44, %add3A_50 : vector<2048x512xf32>
    %lt3A_52 = arith.cmpf olt, %add3A_51, %min3A : vector<2048x512xf32>
    %add3A_53 = arith.constant 512 : i32
    %add3A_54 = vector.broadcast %add3A_53 : i32 to vector<1x512xi32>
    %add3A_55 = arith.addi %iota3A, %add3A_54 : vector<1x512xi32>
    %broadcast_in_dim3A_56 = vector.shape_cast %add3A_55 : vector<1x512xi32> to vector<1x512xi32>
    %broadcast_in_dim3A_57 = vector.broadcast %broadcast_in_dim3A_56 : vector<1x512xi32> to vector<2048x512xi32>
    %select_n3A_58 = arith.select %lt3A_52, %broadcast_in_dim3A_57, %select_n3A : vector<2048x512xi1>, vector<2048x512xi32>
    %min3A_59 = arith.minimumf %min3A, %add3A_51 : vector<2048x512xf32>
    %get3A_60 = arith.constant 0 : index
    %get3A_61 = arith.constant 1024 : index
    %get3A_62 = arith.constant 0 : index
    %get3A_63 = vector.load %arg2[%get3A_60, %get3A_61, %get3A_62] : memref<1x8192x128xf32, #tpu.memory_space<vmem>>, vector<1x512x128xf32>
    %get3A_64 = vector.shape_cast %get3A_63 : vector<1x512x128xf32> to vector<512x128xf32>
    %dot_general3A_65 = arith.constant dense<0.000000e+00> : vector<2048x512xf32>
    %dot_general3A_66 = tpu.matmul %mul3A_6, %get3A_64, %dot_general3A_65 {dimension_numbers = #tpu.dot_dimension_numbers<[1], [1], [0], [0], [0, 0, 1, 0], [], []>, transpose_lhs_hint = false} : vector<2048x128xf32>, vector<512x128xf32>, vector<2048x512xf32> -> vector<2048x512xf32>
    %get3A_67 = arith.constant 0 : index
    %get3A_68 = arith.constant 0 : index
    %get3A_69 = arith.constant 0 : index
    %get3A_70 = vector.load %arg4[%get3A_67, %get3A_68, %get3A_69] : memref<1x2048x1xf32, #tpu.memory_space<vmem>>, vector<1x2048x1xf32>
    %get3A_71 = vector.shape_cast %get3A_70 : vector<1x2048x1xf32> to vector<2048x1xf32>
    %add3A_72 = vector.broadcast %get3A_71 : vector<2048x1xf32> to vector<2048x512xf32>
    %add3A_73 = arith.addf %add3A_72, %dot_general3A_66 : vector<2048x512xf32>
    %get3A_74 = arith.constant 0 : index
    %get3A_75 = arith.constant 0 : index
    %get3A_76 = arith.constant 1024 : index
    %get3A_77 = vector.load %arg3[%get3A_74, %get3A_75, %get3A_76] : memref<1x1x8192xf32, #tpu.memory_space<vmem>>, vector<1x1x512xf32>
    %get3A_78 = vector.shape_cast %get3A_77 : vector<1x1x512xf32> to vector<1x512xf32>
    %add3A_79 = vector.broadcast %get3A_78 : vector<1x512xf32> to vector<2048x512xf32>
    %add3A_80 = arith.addf %add3A_73, %add3A_79 : vector<2048x512xf32>
    %lt3A_81 = arith.cmpf olt, %add3A_80, %min3A_59 : vector<2048x512xf32>
    %add3A_82 = arith.constant 1024 : i32
    %add3A_83 = vector.broadcast %add3A_82 : i32 to vector<1x512xi32>
    %add3A_84 = arith.addi %iota3A, %add3A_83 : vector<1x512xi32>
    %broadcast_in_dim3A_85 = vector.shape_cast %add3A_84 : vector<1x512xi32> to vector<1x512xi32>
    %broadcast_in_dim3A_86 = vector.broadcast %broadcast_in_dim3A_85 : vector<1x512xi32> to vector<2048x512xi32>
    %select_n3A_87 = arith.select %lt3A_81, %broadcast_in_dim3A_86, %select_n3A_58 : vector<2048x512xi1>, vector<2048x512xi32>
    %min3A_88 = arith.minimumf %min3A_59, %add3A_80 : vector<2048x512xf32>
    %get3A_89 = arith.constant 0 : index
    %get3A_90 = arith.constant 1536 : index
    %get3A_91 = arith.constant 0 : index
    %get3A_92 = vector.load %arg2[%get3A_89, %get3A_90, %get3A_91] : memref<1x8192x128xf32, #tpu.memory_space<vmem>>, vector<1x512x128xf32>
    %get3A_93 = vector.shape_cast %get3A_92 : vector<1x512x128xf32> to vector<512x128xf32>
    %dot_general3A_94 = arith.constant dense<0.000000e+00> : vector<2048x512xf32>
    %dot_general3A_95 = tpu.matmul %mul3A_6, %get3A_93, %dot_general3A_94 {dimension_numbers = #tpu.dot_dimension_numbers<[1], [1], [0], [0], [0, 0, 1, 0], [], []>, transpose_lhs_hint = false} : vector<2048x128xf32>, vector<512x128xf32>, vector<2048x512xf32> -> vector<2048x512xf32>
    %get3A_96 = arith.constant 0 : index
    %get3A_97 = arith.constant 0 : index
    %get3A_98 = arith.constant 0 : index
    %get3A_99 = vector.load %arg4[%get3A_96, %get3A_97, %get3A_98] : memref<1x2048x1xf32, #tpu.memory_space<vmem>>, vector<1x2048x1xf32>
    %get3A_100 = vector.shape_cast %get3A_99 : vector<1x2048x1xf32> to vector<2048x1xf32>
    %add3A_101 = vector.broadcast %get3A_100 : vector<2048x1xf32> to vector<2048x512xf32>
    %add3A_102 = arith.addf %add3A_101, %dot_general3A_95 : vector<2048x512xf32>
    %get3A_103 = arith.constant 0 : index
    %get3A_104 = arith.constant 0 : index
    %get3A_105 = arith.constant 1536 : index
    %get3A_106 = vector.load %arg3[%get3A_103, %get3A_104, %get3A_105] : memref<1x1x8192xf32, #tpu.memory_space<vmem>>, vector<1x1x512xf32>
    %get3A_107 = vector.shape_cast %get3A_106 : vector<1x1x512xf32> to vector<1x512xf32>
    %add3A_108 = vector.broadcast %get3A_107 : vector<1x512xf32> to vector<2048x512xf32>
    %add3A_109 = arith.addf %add3A_102, %add3A_108 : vector<2048x512xf32>
    %lt3A_110 = arith.cmpf olt, %add3A_109, %min3A_88 : vector<2048x512xf32>
    %add3A_111 = arith.constant 1536 : i32
    %add3A_112 = vector.broadcast %add3A_111 : i32 to vector<1x512xi32>
    %add3A_113 = arith.addi %iota3A, %add3A_112 : vector<1x512xi32>
    %broadcast_in_dim3A_114 = vector.shape_cast %add3A_113 : vector<1x512xi32> to vector<1x512xi32>
    %broadcast_in_dim3A_115 = vector.broadcast %broadcast_in_dim3A_114 : vector<1x512xi32> to vector<2048x512xi32>
    %select_n3A_116 = arith.select %lt3A_110, %broadcast_in_dim3A_115, %select_n3A_87 : vector<2048x512xi1>, vector<2048x512xi32>
    %min3A_117 = arith.minimumf %min3A_88, %add3A_109 : vector<2048x512xf32>
    %get3A_118 = arith.constant 0 : index
    %get3A_119 = arith.constant 2048 : index
    %get3A_120 = arith.constant 0 : index
    %get3A_121 = vector.load %arg2[%get3A_118, %get3A_119, %get3A_120] : memref<1x8192x128xf32, #tpu.memory_space<vmem>>, vector<1x512x128xf32>
    %get3A_122 = vector.shape_cast %get3A_121 : vector<1x512x128xf32> to vector<512x128xf32>
    %dot_general3A_123 = arith.constant dense<0.000000e+00> : vector<2048x512xf32>
    %dot_general3A_124 = tpu.matmul %mul3A_6, %get3A_122, %dot_general3A_123 {dimension_numbers = #tpu.dot_dimension_numbers<[1], [1], [0], [0], [0, 0, 1, 0], [], []>, transpose_lhs_hint = false} : vector<2048x128xf32>, vector<512x128xf32>, vector<2048x512xf32> -> vector<2048x512xf32>
    %get3A_125 = arith.constant 0 : index
    %get3A_126 = arith.constant 0 : index
    %get3A_127 = arith.constant 0 : index
    %get3A_128 = vector.load %arg4[%get3A_125, %get3A_126, %get3A_127] : memref<1x2048x1xf32, #tpu.memory_space<vmem>>, vector<1x2048x1xf32>
    %get3A_129 = vector.shape_cast %get3A_128 : vector<1x2048x1xf32> to vector<2048x1xf32>
    %add3A_130 = vector.broadcast %get3A_129 : vector<2048x1xf32> to vector<2048x512xf32>
    %add3A_131 = arith.addf %add3A_130, %dot_general3A_124 : vector<2048x512xf32>
    %get3A_132 = arith.constant 0 : index
    %get3A_133 = arith.constant 0 : index
    %get3A_134 = arith.constant 2048 : index
    %get3A_135 = vector.load %arg3[%get3A_132, %get3A_133, %get3A_134] : memref<1x1x8192xf32, #tpu.memory_space<vmem>>, vector<1x1x512xf32>
    %get3A_136 = vector.shape_cast %get3A_135 : vector<1x1x512xf32> to vector<1x512xf32>
    %add3A_137 = vector.broadcast %get3A_136 : vector<1x512xf32> to vector<2048x512xf32>
    %add3A_138 = arith.addf %add3A_131, %add3A_137 : vector<2048x512xf32>
    %lt3A_139 = arith.cmpf olt, %add3A_138, %min3A_117 : vector<2048x512xf32>
    %add3A_140 = arith.constant 2048 : i32
    %add3A_141 = vector.broadcast %add3A_140 : i32 to vector<1x512xi32>
    %add3A_142 = arith.addi %iota3A, %add3A_141 : vector<1x512xi32>
    %broadcast_in_dim3A_143 = vector.shape_cast %add3A_142 : vector<1x512xi32> to vector<1x512xi32>
    %broadcast_in_dim3A_144 = vector.broadcast %broadcast_in_dim3A_143 : vector<1x512xi32> to vector<2048x512xi32>
    %select_n3A_145 = arith.select %lt3A_139, %broadcast_in_dim3A_144, %select_n3A_116 : vector<2048x512xi1>, vector<2048x512xi32>
    %min3A_146 = arith.minimumf %min3A_117, %add3A_138 : vector<2048x512xf32>
    %get3A_147 = arith.constant 0 : index
    %get3A_148 = arith.constant 2560 : index
    %get3A_149 = arith.constant 0 : index
    %get3A_150 = vector.load %arg2[%get3A_147, %get3A_148, %get3A_149] : memref<1x8192x128xf32, #tpu.memory_space<vmem>>, vector<1x512x128xf32>
    %get3A_151 = vector.shape_cast %get3A_150 : vector<1x512x128xf32> to vector<512x128xf32>
    %dot_general3A_152 = arith.constant dense<0.000000e+00> : vector<2048x512xf32>
    %dot_general3A_153 = tpu.matmul %mul3A_6, %get3A_151, %dot_general3A_152 {dimension_numbers = #tpu.dot_dimension_numbers<[1], [1], [0], [0], [0, 0, 1, 0], [], []>, transpose_lhs_hint = false} : vector<2048x128xf32>, vector<512x128xf32>, vector<2048x512xf32> -> vector<2048x512xf32>
    %get3A_154 = arith.constant 0 : index
    %get3A_155 = arith.constant 0 : index
    %get3A_156 = arith.constant 0 : index
    %get3A_157 = vector.load %arg4[%get3A_154, %get3A_155, %get3A_156] : memref<1x2048x1xf32, #tpu.memory_space<vmem>>, vector<1x2048x1xf32>
    %get3A_158 = vector.shape_cast %get3A_157 : vector<1x2048x1xf32> to vector<2048x1xf32>
    %add3A_159 = vector.broadcast %get3A_158 : vector<2048x1xf32> to vector<2048x512xf32>
    %add3A_160 = arith.addf %add3A_159, %dot_general3A_153 : vector<2048x512xf32>
    %get3A_161 = arith.constant 0 : index
    %get3A_162 = arith.constant 0 : index
    %get3A_163 = arith.constant 2560 : index
    %get3A_164 = vector.load %arg3[%get3A_161, %get3A_162, %get3A_163] : memref<1x1x8192xf32, #tpu.memory_space<vmem>>, vector<1x1x512xf32>
    %get3A_165 = vector.shape_cast %get3A_164 : vector<1x1x512xf32> to vector<1x512xf32>
    %add3A_166 = vector.broadcast %get3A_165 : vector<1x512xf32> to vector<2048x512xf32>
    %add3A_167 = arith.addf %add3A_160, %add3A_166 : vector<2048x512xf32>
    %lt3A_168 = arith.cmpf olt, %add3A_167, %min3A_146 : vector<2048x512xf32>
    %add3A_169 = arith.constant 2560 : i32
    %add3A_170 = vector.broadcast %add3A_169 : i32 to vector<1x512xi32>
    %add3A_171 = arith.addi %iota3A, %add3A_170 : vector<1x512xi32>
    %broadcast_in_dim3A_172 = vector.shape_cast %add3A_171 : vector<1x512xi32> to vector<1x512xi32>
    %broadcast_in_dim3A_173 = vector.broadcast %broadcast_in_dim3A_172 : vector<1x512xi32> to vector<2048x512xi32>
    %select_n3A_174 = arith.select %lt3A_168, %broadcast_in_dim3A_173, %select_n3A_145 : vector<2048x512xi1>, vector<2048x512xi32>
    %min3A_175 = arith.minimumf %min3A_146, %add3A_167 : vector<2048x512xf32>
    %get3A_176 = arith.constant 0 : index
    %get3A_177 = arith.constant 3072 : index
    %get3A_178 = arith.constant 0 : index
    %get3A_179 = vector.load %arg2[%get3A_176, %get3A_177, %get3A_178] : memref<1x8192x128xf32, #tpu.memory_space<vmem>>, vector<1x512x128xf32>
    %get3A_180 = vector.shape_cast %get3A_179 : vector<1x512x128xf32> to vector<512x128xf32>
    %dot_general3A_181 = arith.constant dense<0.000000e+00> : vector<2048x512xf32>
    %dot_general3A_182 = tpu.matmul %mul3A_6, %get3A_180, %dot_general3A_181 {dimension_numbers = #tpu.dot_dimension_numbers<[1], [1], [0], [0], [0, 0, 1, 0], [], []>, transpose_lhs_hint = false} : vector<2048x128xf32>, vector<512x128xf32>, vector<2048x512xf32> -> vector<2048x512xf32>
    %get3A_183 = arith.constant 0 : index
    %get3A_184 = arith.constant 0 : index
    %get3A_185 = arith.constant 0 : index
    %get3A_186 = vector.load %arg4[%get3A_183, %get3A_184, %get3A_185] : memref<1x2048x1xf32, #tpu.memory_space<vmem>>, vector<1x2048x1xf32>
    %get3A_187 = vector.shape_cast %get3A_186 : vector<1x2048x1xf32> to vector<2048x1xf32>
    %add3A_188 = vector.broadcast %get3A_187 : vector<2048x1xf32> to vector<2048x512xf32>
    %add3A_189 = arith.addf %add3A_188, %dot_general3A_182 : vector<2048x512xf32>
    %get3A_190 = arith.constant 0 : index
    %get3A_191 = arith.constant 0 : index
    %get3A_192 = arith.constant 3072 : index
    %get3A_193 = vector.load %arg3[%get3A_190, %get3A_191, %get3A_192] : memref<1x1x8192xf32, #tpu.memory_space<vmem>>, vector<1x1x512xf32>
    %get3A_194 = vector.shape_cast %get3A_193 : vector<1x1x512xf32> to vector<1x512xf32>
    %add3A_195 = vector.broadcast %get3A_194 : vector<1x512xf32> to vector<2048x512xf32>
    %add3A_196 = arith.addf %add3A_189, %add3A_195 : vector<2048x512xf32>
    %lt3A_197 = arith.cmpf olt, %add3A_196, %min3A_175 : vector<2048x512xf32>
    %add3A_198 = arith.constant 3072 : i32
    %add3A_199 = vector.broadcast %add3A_198 : i32 to vector<1x512xi32>
    %add3A_200 = arith.addi %iota3A, %add3A_199 : vector<1x512xi32>
    %broadcast_in_dim3A_201 = vector.shape_cast %add3A_200 : vector<1x512xi32> to vector<1x512xi32>
    %broadcast_in_dim3A_202 = vector.broadcast %broadcast_in_dim3A_201 : vector<1x512xi32> to vector<2048x512xi32>
    %select_n3A_203 = arith.select %lt3A_197, %broadcast_in_dim3A_202, %select_n3A_174 : vector<2048x512xi1>, vector<2048x512xi32>
    %min3A_204 = arith.minimumf %min3A_175, %add3A_196 : vector<2048x512xf32>
    %get3A_205 = arith.constant 0 : index
    %get3A_206 = arith.constant 3584 : index
    %get3A_207 = arith.constant 0 : index
    %get3A_208 = vector.load %arg2[%get3A_205, %get3A_206, %get3A_207] : memref<1x8192x128xf32, #tpu.memory_space<vmem>>, vector<1x512x128xf32>
    %get3A_209 = vector.shape_cast %get3A_208 : vector<1x512x128xf32> to vector<512x128xf32>
    %dot_general3A_210 = arith.constant dense<0.000000e+00> : vector<2048x512xf32>
    %dot_general3A_211 = tpu.matmul %mul3A_6, %get3A_209, %dot_general3A_210 {dimension_numbers = #tpu.dot_dimension_numbers<[1], [1], [0], [0], [0, 0, 1, 0], [], []>, transpose_lhs_hint = false} : vector<2048x128xf32>, vector<512x128xf32>, vector<2048x512xf32> -> vector<2048x512xf32>
    %get3A_212 = arith.constant 0 : index
    %get3A_213 = arith.constant 0 : index
    %get3A_214 = arith.constant 0 : index
    %get3A_215 = vector.load %arg4[%get3A_212, %get3A_213, %get3A_214] : memref<1x2048x1xf32, #tpu.memory_space<vmem>>, vector<1x2048x1xf32>
    %get3A_216 = vector.shape_cast %get3A_215 : vector<1x2048x1xf32> to vector<2048x1xf32>
    %add3A_217 = vector.broadcast %get3A_216 : vector<2048x1xf32> to vector<2048x512xf32>
    %add3A_218 = arith.addf %add3A_217, %dot_general3A_211 : vector<2048x512xf32>
    %get3A_219 = arith.constant 0 : index
    %get3A_220 = arith.constant 0 : index
    %get3A_221 = arith.constant 3584 : index
    %get3A_222 = vector.load %arg3[%get3A_219, %get3A_220, %get3A_221] : memref<1x1x8192xf32, #tpu.memory_space<vmem>>, vector<1x1x512xf32>
    %get3A_223 = vector.shape_cast %get3A_222 : vector<1x1x512xf32> to vector<1x512xf32>
    %add3A_224 = vector.broadcast %get3A_223 : vector<1x512xf32> to vector<2048x512xf32>
    %add3A_225 = arith.addf %add3A_218, %add3A_224 : vector<2048x512xf32>
    %lt3A_226 = arith.cmpf olt, %add3A_225, %min3A_204 : vector<2048x512xf32>
    %add3A_227 = arith.constant 3584 : i32
    %add3A_228 = vector.broadcast %add3A_227 : i32 to vector<1x512xi32>
    %add3A_229 = arith.addi %iota3A, %add3A_228 : vector<1x512xi32>
    %broadcast_in_dim3A_230 = vector.shape_cast %add3A_229 : vector<1x512xi32> to vector<1x512xi32>
    %broadcast_in_dim3A_231 = vector.broadcast %broadcast_in_dim3A_230 : vector<1x512xi32> to vector<2048x512xi32>
    %select_n3A_232 = arith.select %lt3A_226, %broadcast_in_dim3A_231, %select_n3A_203 : vector<2048x512xi1>, vector<2048x512xi32>
    %min3A_233 = arith.minimumf %min3A_204, %add3A_225 : vector<2048x512xf32>
    %get3A_234 = arith.constant 0 : index
    %get3A_235 = arith.constant 4096 : index
    %get3A_236 = arith.constant 0 : index
    %get3A_237 = vector.load %arg2[%get3A_234, %get3A_235, %get3A_236] : memref<1x8192x128xf32, #tpu.memory_space<vmem>>, vector<1x512x128xf32>
    %get3A_238 = vector.shape_cast %get3A_237 : vector<1x512x128xf32> to vector<512x128xf32>
    %dot_general3A_239 = arith.constant dense<0.000000e+00> : vector<2048x512xf32>
    %dot_general3A_240 = tpu.matmul %mul3A_6, %get3A_238, %dot_general3A_239 {dimension_numbers = #tpu.dot_dimension_numbers<[1], [1], [0], [0], [0, 0, 1, 0], [], []>, transpose_lhs_hint = false} : vector<2048x128xf32>, vector<512x128xf32>, vector<2048x512xf32> -> vector<2048x512xf32>
    %get3A_241 = arith.constant 0 : index
    %get3A_242 = arith.constant 0 : index
    %get3A_243 = arith.constant 0 : index
    %get3A_244 = vector.load %arg4[%get3A_241, %get3A_242, %get3A_243] : memref<1x2048x1xf32, #tpu.memory_space<vmem>>, vector<1x2048x1xf32>
    %get3A_245 = vector.shape_cast %get3A_244 : vector<1x2048x1xf32> to vector<2048x1xf32>
    %add3A_246 = vector.broadcast %get3A_245 : vector<2048x1xf32> to vector<2048x512xf32>
    %add3A_247 = arith.addf %add3A_246, %dot_general3A_240 : vector<2048x512xf32>
    %get3A_248 = arith.constant 0 : index
    %get3A_249 = arith.constant 0 : index
    %get3A_250 = arith.constant 4096 : index
    %get3A_251 = vector.load %arg3[%get3A_248, %get3A_249, %get3A_250] : memref<1x1x8192xf32, #tpu.memory_space<vmem>>, vector<1x1x512xf32>
    %get3A_252 = vector.shape_cast %get3A_251 : vector<1x1x512xf32> to vector<1x512xf32>
    %add3A_253 = vector.broadcast %get3A_252 : vector<1x512xf32> to vector<2048x512xf32>
    %add3A_254 = arith.addf %add3A_247, %add3A_253 : vector<2048x512xf32>
    %lt3A_255 = arith.cmpf olt, %add3A_254, %min3A_233 : vector<2048x512xf32>
    %add3A_256 = arith.constant 4096 : i32
    %add3A_257 = vector.broadcast %add3A_256 : i32 to vector<1x512xi32>
    %add3A_258 = arith.addi %iota3A, %add3A_257 : vector<1x512xi32>
    %broadcast_in_dim3A_259 = vector.shape_cast %add3A_258 : vector<1x512xi32> to vector<1x512xi32>
    %broadcast_in_dim3A_260 = vector.broadcast %broadcast_in_dim3A_259 : vector<1x512xi32> to vector<2048x512xi32>
    %select_n3A_261 = arith.select %lt3A_255, %broadcast_in_dim3A_260, %select_n3A_232 : vector<2048x512xi1>, vector<2048x512xi32>
    %min3A_262 = arith.minimumf %min3A_233, %add3A_254 : vector<2048x512xf32>
    %get3A_263 = arith.constant 0 : index
    %get3A_264 = arith.constant 4608 : index
    %get3A_265 = arith.constant 0 : index
    %get3A_266 = vector.load %arg2[%get3A_263, %get3A_264, %get3A_265] : memref<1x8192x128xf32, #tpu.memory_space<vmem>>, vector<1x512x128xf32>
    %get3A_267 = vector.shape_cast %get3A_266 : vector<1x512x128xf32> to vector<512x128xf32>
    %dot_general3A_268 = arith.constant dense<0.000000e+00> : vector<2048x512xf32>
    %dot_general3A_269 = tpu.matmul %mul3A_6, %get3A_267, %dot_general3A_268 {dimension_numbers = #tpu.dot_dimension_numbers<[1], [1], [0], [0], [0, 0, 1, 0], [], []>, transpose_lhs_hint = false} : vector<2048x128xf32>, vector<512x128xf32>, vector<2048x512xf32> -> vector<2048x512xf32>
    %get3A_270 = arith.constant 0 : index
    %get3A_271 = arith.constant 0 : index
    %get3A_272 = arith.constant 0 : index
    %get3A_273 = vector.load %arg4[%get3A_270, %get3A_271, %get3A_272] : memref<1x2048x1xf32, #tpu.memory_space<vmem>>, vector<1x2048x1xf32>
    %get3A_274 = vector.shape_cast %get3A_273 : vector<1x2048x1xf32> to vector<2048x1xf32>
    %add3A_275 = vector.broadcast %get3A_274 : vector<2048x1xf32> to vector<2048x512xf32>
    %add3A_276 = arith.addf %add3A_275, %dot_general3A_269 : vector<2048x512xf32>
    %get3A_277 = arith.constant 0 : index
    %get3A_278 = arith.constant 0 : index
    %get3A_279 = arith.constant 4608 : index
    %get3A_280 = vector.load %arg3[%get3A_277, %get3A_278, %get3A_279] : memref<1x1x8192xf32, #tpu.memory_space<vmem>>, vector<1x1x512xf32>
    %get3A_281 = vector.shape_cast %get3A_280 : vector<1x1x512xf32> to vector<1x512xf32>
    %add3A_282 = vector.broadcast %get3A_281 : vector<1x512xf32> to vector<2048x512xf32>
    %add3A_283 = arith.addf %add3A_276, %add3A_282 : vector<2048x512xf32>
    %lt3A_284 = arith.cmpf olt, %add3A_283, %min3A_262 : vector<2048x512xf32>
    %add3A_285 = arith.constant 4608 : i32
    %add3A_286 = vector.broadcast %add3A_285 : i32 to vector<1x512xi32>
    %add3A_287 = arith.addi %iota3A, %add3A_286 : vector<1x512xi32>
    %broadcast_in_dim3A_288 = vector.shape_cast %add3A_287 : vector<1x512xi32> to vector<1x512xi32>
    %broadcast_in_dim3A_289 = vector.broadcast %broadcast_in_dim3A_288 : vector<1x512xi32> to vector<2048x512xi32>
    %select_n3A_290 = arith.select %lt3A_284, %broadcast_in_dim3A_289, %select_n3A_261 : vector<2048x512xi1>, vector<2048x512xi32>
    %min3A_291 = arith.minimumf %min3A_262, %add3A_283 : vector<2048x512xf32>
    %get3A_292 = arith.constant 0 : index
    %get3A_293 = arith.constant 5120 : index
    %get3A_294 = arith.constant 0 : index
    %get3A_295 = vector.load %arg2[%get3A_292, %get3A_293, %get3A_294] : memref<1x8192x128xf32, #tpu.memory_space<vmem>>, vector<1x512x128xf32>
    %get3A_296 = vector.shape_cast %get3A_295 : vector<1x512x128xf32> to vector<512x128xf32>
    %dot_general3A_297 = arith.constant dense<0.000000e+00> : vector<2048x512xf32>
    %dot_general3A_298 = tpu.matmul %mul3A_6, %get3A_296, %dot_general3A_297 {dimension_numbers = #tpu.dot_dimension_numbers<[1], [1], [0], [0], [0, 0, 1, 0], [], []>, transpose_lhs_hint = false} : vector<2048x128xf32>, vector<512x128xf32>, vector<2048x512xf32> -> vector<2048x512xf32>
    %get3A_299 = arith.constant 0 : index
    %get3A_300 = arith.constant 0 : index
    %get3A_301 = arith.constant 0 : index
    %get3A_302 = vector.load %arg4[%get3A_299, %get3A_300, %get3A_301] : memref<1x2048x1xf32, #tpu.memory_space<vmem>>, vector<1x2048x1xf32>
    %get3A_303 = vector.shape_cast %get3A_302 : vector<1x2048x1xf32> to vector<2048x1xf32>
    %add3A_304 = vector.broadcast %get3A_303 : vector<2048x1xf32> to vector<2048x512xf32>
    %add3A_305 = arith.addf %add3A_304, %dot_general3A_298 : vector<2048x512xf32>
    %get3A_306 = arith.constant 0 : index
    %get3A_307 = arith.constant 0 : index
    %get3A_308 = arith.constant 5120 : index
    %get3A_309 = vector.load %arg3[%get3A_306, %get3A_307, %get3A_308] : memref<1x1x8192xf32, #tpu.memory_space<vmem>>, vector<1x1x512xf32>
    %get3A_310 = vector.shape_cast %get3A_309 : vector<1x1x512xf32> to vector<1x512xf32>
    %add3A_311 = vector.broadcast %get3A_310 : vector<1x512xf32> to vector<2048x512xf32>
    %add3A_312 = arith.addf %add3A_305, %add3A_311 : vector<2048x512xf32>
    %lt3A_313 = arith.cmpf olt, %add3A_312, %min3A_291 : vector<2048x512xf32>
    %add3A_314 = arith.constant 5120 : i32
    %add3A_315 = vector.broadcast %add3A_314 : i32 to vector<1x512xi32>
    %add3A_316 = arith.addi %iota3A, %add3A_315 : vector<1x512xi32>
    %broadcast_in_dim3A_317 = vector.shape_cast %add3A_316 : vector<1x512xi32> to vector<1x512xi32>
    %broadcast_in_dim3A_318 = vector.broadcast %broadcast_in_dim3A_317 : vector<1x512xi32> to vector<2048x512xi32>
    %select_n3A_319 = arith.select %lt3A_313, %broadcast_in_dim3A_318, %select_n3A_290 : vector<2048x512xi1>, vector<2048x512xi32>
    %min3A_320 = arith.minimumf %min3A_291, %add3A_312 : vector<2048x512xf32>
    %get3A_321 = arith.constant 0 : index
    %get3A_322 = arith.constant 5632 : index
    %get3A_323 = arith.constant 0 : index
    %get3A_324 = vector.load %arg2[%get3A_321, %get3A_322, %get3A_323] : memref<1x8192x128xf32, #tpu.memory_space<vmem>>, vector<1x512x128xf32>
    %get3A_325 = vector.shape_cast %get3A_324 : vector<1x512x128xf32> to vector<512x128xf32>
    %dot_general3A_326 = arith.constant dense<0.000000e+00> : vector<2048x512xf32>
    %dot_general3A_327 = tpu.matmul %mul3A_6, %get3A_325, %dot_general3A_326 {dimension_numbers = #tpu.dot_dimension_numbers<[1], [1], [0], [0], [0, 0, 1, 0], [], []>, transpose_lhs_hint = false} : vector<2048x128xf32>, vector<512x128xf32>, vector<2048x512xf32> -> vector<2048x512xf32>
    %get3A_328 = arith.constant 0 : index
    %get3A_329 = arith.constant 0 : index
    %get3A_330 = arith.constant 0 : index
    %get3A_331 = vector.load %arg4[%get3A_328, %get3A_329, %get3A_330] : memref<1x2048x1xf32, #tpu.memory_space<vmem>>, vector<1x2048x1xf32>
    %get3A_332 = vector.shape_cast %get3A_331 : vector<1x2048x1xf32> to vector<2048x1xf32>
    %add3A_333 = vector.broadcast %get3A_332 : vector<2048x1xf32> to vector<2048x512xf32>
    %add3A_334 = arith.addf %add3A_333, %dot_general3A_327 : vector<2048x512xf32>
    %get3A_335 = arith.constant 0 : index
    %get3A_336 = arith.constant 0 : index
    %get3A_337 = arith.constant 5632 : index
    %get3A_338 = vector.load %arg3[%get3A_335, %get3A_336, %get3A_337] : memref<1x1x8192xf32, #tpu.memory_space<vmem>>, vector<1x1x512xf32>
    %get3A_339 = vector.shape_cast %get3A_338 : vector<1x1x512xf32> to vector<1x512xf32>
    %add3A_340 = vector.broadcast %get3A_339 : vector<1x512xf32> to vector<2048x512xf32>
    %add3A_341 = arith.addf %add3A_334, %add3A_340 : vector<2048x512xf32>
    %lt3A_342 = arith.cmpf olt, %add3A_341, %min3A_320 : vector<2048x512xf32>
    %add3A_343 = arith.constant 5632 : i32
    %add3A_344 = vector.broadcast %add3A_343 : i32 to vector<1x512xi32>
    %add3A_345 = arith.addi %iota3A, %add3A_344 : vector<1x512xi32>
    %broadcast_in_dim3A_346 = vector.shape_cast %add3A_345 : vector<1x512xi32> to vector<1x512xi32>
    %broadcast_in_dim3A_347 = vector.broadcast %broadcast_in_dim3A_346 : vector<1x512xi32> to vector<2048x512xi32>
    %select_n3A_348 = arith.select %lt3A_342, %broadcast_in_dim3A_347, %select_n3A_319 : vector<2048x512xi1>, vector<2048x512xi32>
    %min3A_349 = arith.minimumf %min3A_320, %add3A_341 : vector<2048x512xf32>
    %get3A_350 = arith.constant 0 : index
    %get3A_351 = arith.constant 6144 : index
    %get3A_352 = arith.constant 0 : index
    %get3A_353 = vector.load %arg2[%get3A_350, %get3A_351, %get3A_352] : memref<1x8192x128xf32, #tpu.memory_space<vmem>>, vector<1x512x128xf32>
    %get3A_354 = vector.shape_cast %get3A_353 : vector<1x512x128xf32> to vector<512x128xf32>
    %dot_general3A_355 = arith.constant dense<0.000000e+00> : vector<2048x512xf32>
    %dot_general3A_356 = tpu.matmul %mul3A_6, %get3A_354, %dot_general3A_355 {dimension_numbers = #tpu.dot_dimension_numbers<[1], [1], [0], [0], [0, 0, 1, 0], [], []>, transpose_lhs_hint = false} : vector<2048x128xf32>, vector<512x128xf32>, vector<2048x512xf32> -> vector<2048x512xf32>
    %get3A_357 = arith.constant 0 : index
    %get3A_358 = arith.constant 0 : index
    %get3A_359 = arith.constant 0 : index
    %get3A_360 = vector.load %arg4[%get3A_357, %get3A_358, %get3A_359] : memref<1x2048x1xf32, #tpu.memory_space<vmem>>, vector<1x2048x1xf32>
    %get3A_361 = vector.shape_cast %get3A_360 : vector<1x2048x1xf32> to vector<2048x1xf32>
    %add3A_362 = vector.broadcast %get3A_361 : vector<2048x1xf32> to vector<2048x512xf32>
    %add3A_363 = arith.addf %add3A_362, %dot_general3A_356 : vector<2048x512xf32>
    %get3A_364 = arith.constant 0 : index
    %get3A_365 = arith.constant 0 : index
    %get3A_366 = arith.constant 6144 : index
    %get3A_367 = vector.load %arg3[%get3A_364, %get3A_365, %get3A_366] : memref<1x1x8192xf32, #tpu.memory_space<vmem>>, vector<1x1x512xf32>
    %get3A_368 = vector.shape_cast %get3A_367 : vector<1x1x512xf32> to vector<1x512xf32>
    %add3A_369 = vector.broadcast %get3A_368 : vector<1x512xf32> to vector<2048x512xf32>
    %add3A_370 = arith.addf %add3A_363, %add3A_369 : vector<2048x512xf32>
    %lt3A_371 = arith.cmpf olt, %add3A_370, %min3A_349 : vector<2048x512xf32>
    %add3A_372 = arith.constant 6144 : i32
    %add3A_373 = vector.broadcast %add3A_372 : i32 to vector<1x512xi32>
    %add3A_374 = arith.addi %iota3A, %add3A_373 : vector<1x512xi32>
    %broadcast_in_dim3A_375 = vector.shape_cast %add3A_374 : vector<1x512xi32> to vector<1x512xi32>
    %broadcast_in_dim3A_376 = vector.broadcast %broadcast_in_dim3A_375 : vector<1x512xi32> to vector<2048x512xi32>
    %select_n3A_377 = arith.select %lt3A_371, %broadcast_in_dim3A_376, %select_n3A_348 : vector<2048x512xi1>, vector<2048x512xi32>
    %min3A_378 = arith.minimumf %min3A_349, %add3A_370 : vector<2048x512xf32>
    %get3A_379 = arith.constant 0 : index
    %get3A_380 = arith.constant 6656 : index
    %get3A_381 = arith.constant 0 : index
    %get3A_382 = vector.load %arg2[%get3A_379, %get3A_380, %get3A_381] : memref<1x8192x128xf32, #tpu.memory_space<vmem>>, vector<1x512x128xf32>
    %get3A_383 = vector.shape_cast %get3A_382 : vector<1x512x128xf32> to vector<512x128xf32>
    %dot_general3A_384 = arith.constant dense<0.000000e+00> : vector<2048x512xf32>
    %dot_general3A_385 = tpu.matmul %mul3A_6, %get3A_383, %dot_general3A_384 {dimension_numbers = #tpu.dot_dimension_numbers<[1], [1], [0], [0], [0, 0, 1, 0], [], []>, transpose_lhs_hint = false} : vector<2048x128xf32>, vector<512x128xf32>, vector<2048x512xf32> -> vector<2048x512xf32>
    %get3A_386 = arith.constant 0 : index
    %get3A_387 = arith.constant 0 : index
    %get3A_388 = arith.constant 0 : index
    %get3A_389 = vector.load %arg4[%get3A_386, %get3A_387, %get3A_388] : memref<1x2048x1xf32, #tpu.memory_space<vmem>>, vector<1x2048x1xf32>
    %get3A_390 = vector.shape_cast %get3A_389 : vector<1x2048x1xf32> to vector<2048x1xf32>
    %add3A_391 = vector.broadcast %get3A_390 : vector<2048x1xf32> to vector<2048x512xf32>
    %add3A_392 = arith.addf %add3A_391, %dot_general3A_385 : vector<2048x512xf32>
    %get3A_393 = arith.constant 0 : index
    %get3A_394 = arith.constant 0 : index
    %get3A_395 = arith.constant 6656 : index
    %get3A_396 = vector.load %arg3[%get3A_393, %get3A_394, %get3A_395] : memref<1x1x8192xf32, #tpu.memory_space<vmem>>, vector<1x1x512xf32>
    %get3A_397 = vector.shape_cast %get3A_396 : vector<1x1x512xf32> to vector<1x512xf32>
    %add3A_398 = vector.broadcast %get3A_397 : vector<1x512xf32> to vector<2048x512xf32>
    %add3A_399 = arith.addf %add3A_392, %add3A_398 : vector<2048x512xf32>
    %lt3A_400 = arith.cmpf olt, %add3A_399, %min3A_378 : vector<2048x512xf32>
    %add3A_401 = arith.constant 6656 : i32
    %add3A_402 = vector.broadcast %add3A_401 : i32 to vector<1x512xi32>
    %add3A_403 = arith.addi %iota3A, %add3A_402 : vector<1x512xi32>
    %broadcast_in_dim3A_404 = vector.shape_cast %add3A_403 : vector<1x512xi32> to vector<1x512xi32>
    %broadcast_in_dim3A_405 = vector.broadcast %broadcast_in_dim3A_404 : vector<1x512xi32> to vector<2048x512xi32>
    %select_n3A_406 = arith.select %lt3A_400, %broadcast_in_dim3A_405, %select_n3A_377 : vector<2048x512xi1>, vector<2048x512xi32>
    %min3A_407 = arith.minimumf %min3A_378, %add3A_399 : vector<2048x512xf32>
    %get3A_408 = arith.constant 0 : index
    %get3A_409 = arith.constant 7168 : index
    %get3A_410 = arith.constant 0 : index
    %get3A_411 = vector.load %arg2[%get3A_408, %get3A_409, %get3A_410] : memref<1x8192x128xf32, #tpu.memory_space<vmem>>, vector<1x512x128xf32>
    %get3A_412 = vector.shape_cast %get3A_411 : vector<1x512x128xf32> to vector<512x128xf32>
    %dot_general3A_413 = arith.constant dense<0.000000e+00> : vector<2048x512xf32>
    %dot_general3A_414 = tpu.matmul %mul3A_6, %get3A_412, %dot_general3A_413 {dimension_numbers = #tpu.dot_dimension_numbers<[1], [1], [0], [0], [0, 0, 1, 0], [], []>, transpose_lhs_hint = false} : vector<2048x128xf32>, vector<512x128xf32>, vector<2048x512xf32> -> vector<2048x512xf32>
    %get3A_415 = arith.constant 0 : index
    %get3A_416 = arith.constant 0 : index
    %get3A_417 = arith.constant 0 : index
    %get3A_418 = vector.load %arg4[%get3A_415, %get3A_416, %get3A_417] : memref<1x2048x1xf32, #tpu.memory_space<vmem>>, vector<1x2048x1xf32>
    %get3A_419 = vector.shape_cast %get3A_418 : vector<1x2048x1xf32> to vector<2048x1xf32>
    %add3A_420 = vector.broadcast %get3A_419 : vector<2048x1xf32> to vector<2048x512xf32>
    %add3A_421 = arith.addf %add3A_420, %dot_general3A_414 : vector<2048x512xf32>
    %get3A_422 = arith.constant 0 : index
    %get3A_423 = arith.constant 0 : index
    %get3A_424 = arith.constant 7168 : index
    %get3A_425 = vector.load %arg3[%get3A_422, %get3A_423, %get3A_424] : memref<1x1x8192xf32, #tpu.memory_space<vmem>>, vector<1x1x512xf32>
    %get3A_426 = vector.shape_cast %get3A_425 : vector<1x1x512xf32> to vector<1x512xf32>
    %add3A_427 = vector.broadcast %get3A_426 : vector<1x512xf32> to vector<2048x512xf32>
    %add3A_428 = arith.addf %add3A_421, %add3A_427 : vector<2048x512xf32>
    %lt3A_429 = arith.cmpf olt, %add3A_428, %min3A_407 : vector<2048x512xf32>
    %add3A_430 = arith.constant 7168 : i32
    %add3A_431 = vector.broadcast %add3A_430 : i32 to vector<1x512xi32>
    %add3A_432 = arith.addi %iota3A, %add3A_431 : vector<1x512xi32>
    %broadcast_in_dim3A_433 = vector.shape_cast %add3A_432 : vector<1x512xi32> to vector<1x512xi32>
    %broadcast_in_dim3A_434 = vector.broadcast %broadcast_in_dim3A_433 : vector<1x512xi32> to vector<2048x512xi32>
    %select_n3A_435 = arith.select %lt3A_429, %broadcast_in_dim3A_434, %select_n3A_406 : vector<2048x512xi1>, vector<2048x512xi32>
    %min3A_436 = arith.minimumf %min3A_407, %add3A_428 : vector<2048x512xf32>
    %get3A_437 = arith.constant 0 : index
    %get3A_438 = arith.constant 7680 : index
    %get3A_439 = arith.constant 0 : index
    %get3A_440 = vector.load %arg2[%get3A_437, %get3A_438, %get3A_439] : memref<1x8192x128xf32, #tpu.memory_space<vmem>>, vector<1x512x128xf32>
    %get3A_441 = vector.shape_cast %get3A_440 : vector<1x512x128xf32> to vector<512x128xf32>
    %dot_general3A_442 = arith.constant dense<0.000000e+00> : vector<2048x512xf32>
    %dot_general3A_443 = tpu.matmul %mul3A_6, %get3A_441, %dot_general3A_442 {dimension_numbers = #tpu.dot_dimension_numbers<[1], [1], [0], [0], [0, 0, 1, 0], [], []>, transpose_lhs_hint = false} : vector<2048x128xf32>, vector<512x128xf32>, vector<2048x512xf32> -> vector<2048x512xf32>
    %get3A_444 = arith.constant 0 : index
    %get3A_445 = arith.constant 0 : index
    %get3A_446 = arith.constant 0 : index
    %get3A_447 = vector.load %arg4[%get3A_444, %get3A_445, %get3A_446] : memref<1x2048x1xf32, #tpu.memory_space<vmem>>, vector<1x2048x1xf32>
    %get3A_448 = vector.shape_cast %get3A_447 : vector<1x2048x1xf32> to vector<2048x1xf32>
    %add3A_449 = vector.broadcast %get3A_448 : vector<2048x1xf32> to vector<2048x512xf32>
    %add3A_450 = arith.addf %add3A_449, %dot_general3A_443 : vector<2048x512xf32>
    %get3A_451 = arith.constant 0 : index
    %get3A_452 = arith.constant 0 : index
    %get3A_453 = arith.constant 7680 : index
    %get3A_454 = vector.load %arg3[%get3A_451, %get3A_452, %get3A_453] : memref<1x1x8192xf32, #tpu.memory_space<vmem>>, vector<1x1x512xf32>
    %get3A_455 = vector.shape_cast %get3A_454 : vector<1x1x512xf32> to vector<1x512xf32>
    %add3A_456 = vector.broadcast %get3A_455 : vector<1x512xf32> to vector<2048x512xf32>
    %add3A_457 = arith.addf %add3A_450, %add3A_456 : vector<2048x512xf32>
    %lt3A_458 = arith.cmpf olt, %add3A_457, %min3A_436 : vector<2048x512xf32>
    %add3A_459 = arith.constant 7680 : i32
    %add3A_460 = vector.broadcast %add3A_459 : i32 to vector<1x512xi32>
    %add3A_461 = arith.addi %iota3A, %add3A_460 : vector<1x512xi32>
    %broadcast_in_dim3A_462 = vector.shape_cast %add3A_461 : vector<1x512xi32> to vector<1x512xi32>
    %broadcast_in_dim3A_463 = vector.broadcast %broadcast_in_dim3A_462 : vector<1x512xi32> to vector<2048x512xi32>
    %select_n3A_464 = arith.select %lt3A_458, %broadcast_in_dim3A_463, %select_n3A_435 : vector<2048x512xi1>, vector<2048x512xi32>
    %min3A_465 = arith.minimumf %min3A_436, %add3A_457 : vector<2048x512xf32>
    %reduce_min3A = arith.constant dense<0x7F800000> : vector<2048xf32>
    %reduce_min3A_466 = vector.multi_reduction <minimumf>, %min3A_465, %reduce_min3A [1] : vector<2048x512xf32> to vector<2048xf32>
    %broadcast_in_dim3A_467 = vector.shape_cast %reduce_min3A_466 : vector<2048xf32> to vector<2048x1xf32>
    %eq3A = vector.broadcast %broadcast_in_dim3A_467 : vector<2048x1xf32> to vector<2048x512xf32>
    %eq3A_468 = arith.cmpf oeq, %min3A_465, %eq3A : vector<2048x512xf32>
    %jit3A = arith.constant 8192 : i32
    %broadcast_in_dim3A_469 = vector.broadcast %jit3A : i32 to vector<2048x512xi32>
    %select_n3A_470 = arith.select %eq3A_468, %select_n3A_464, %broadcast_in_dim3A_469 : vector<2048x512xi1>, vector<2048x512xi32>
    %reduce_min3A_471 = arith.constant dense<2147483647> : vector<2048xi32>
    %reduce_min3A_472 = vector.multi_reduction <minsi>, %select_n3A_470, %reduce_min3A_471 [1] : vector<2048x512xi32> to vector<2048xi32>
    %broadcast_in_dim3A_473 = vector.shape_cast %reduce_min3A_472 : vector<2048xi32> to vector<2048x1xi32>
    %iota3A_474 = tpu.iota {dimensions = array<i32: 1>} : vector<1x8xi32>
    %eq3A_475 = vector.broadcast %arg0 : i32 to vector<1x8xi32>
    %eq3A_476 = arith.cmpi eq, %iota3A_474, %eq3A_475 : vector<1x8xi32>
    %mul3A_477 = arith.constant 8192 : i32
    %mul3A_478 = arith.muli %arg0, %mul3A_477 : i32
    %add3A_479 = vector.broadcast %mul3A_478 : i32 to vector<2048x1xi32>
    %add3A_480 = arith.addi %broadcast_in_dim3A_473, %add3A_479 : vector<2048x1xi32>
    %get3A_481 = arith.constant 0 : index
    %get3A_482 = arith.constant 0 : index
    %get3A_483 = vector.load %arg5[%get3A_481, %get3A_482] : memref<2048x8xi32, #tpu.memory_space<vmem>>, vector<2048x8xi32>
    %broadcast_in_dim3A_484 = vector.shape_cast %eq3A_476 : vector<1x8xi1> to vector<1x8xi1>
    %broadcast_in_dim3A_485 = vector.broadcast %broadcast_in_dim3A_484 : vector<1x8xi1> to vector<2048x8xi1>
    %broadcast_in_dim3A_486 = vector.shape_cast %add3A_480 : vector<2048x1xi32> to vector<2048x1xi32>
    %broadcast_in_dim3A_487 = vector.broadcast %broadcast_in_dim3A_486 : vector<2048x1xi32> to vector<2048x8xi32>
    %select_n3A_488 = arith.select %broadcast_in_dim3A_485, %broadcast_in_dim3A_487, %get3A_483 : vector<2048x8xi1>, vector<2048x8xi32>
    %swap3A = arith.constant 0 : index
    %swap3A_489 = arith.constant 0 : index
    %swap3A_490 = vector.load %arg5[%swap3A, %swap3A_489] : memref<2048x8xi32, #tpu.memory_space<vmem>>, vector<2048x8xi32>
    tpu.vector_store %arg5[%swap3A, %swap3A_489], %select_n3A_488 {strides = array<i32>} : memref<2048x8xi32, #tpu.memory_space<vmem>>, vector<2048x8xi32>,
    return
  }
  func.func @transform_0(%arg0: i32) -> (i32, i32) {
    %c0_i32 = arith.constant 0 : i32
    %c0_i32_0 = arith.constant 0 : i32
    return %c0_i32, %arg0 : i32, i32
  }
  func.func @transform_1(%arg0: i32) -> (i32, i32, i32) {
    %c0_i32 = arith.constant 0 : i32
    %c0_i32_0 = arith.constant 0 : i32
    %c0_i32_1 = arith.constant 0 : i32
    return %arg0, %c0_i32, %c0_i32_0 : i32, i32, i32
  }
  func.func @transform_2(%arg0: i32) -> (i32, i32, i32) {
    %c0_i32 = arith.constant 0 : i32
    %c0_i32_0 = arith.constant 0 : i32
    %c0_i32_1 = arith.constant 0 : i32
    return %arg0, %c0_i32, %c0_i32_0 : i32, i32, i32
  }
  func.func @transform_3(%arg0: i32) -> (i32, i32, i32) {
    %c0_i32 = arith.constant 0 : i32
    %c0_i32_0 = arith.constant 0 : i32
    %c0_i32_1 = arith.constant 0 : i32
    return %arg0, %c0_i32, %c0_i32_0 : i32, i32, i32
  }
  func.func @transform_4(%arg0: i32) -> (i32, i32) {
    %c0_i32 = arith.constant 0 : i32
    %c0_i32_0 = arith.constant 0 : i32
    %c0_i32_1 = arith.constant 0 : i32
    return %c0_i32, %c0_i32_0 : i32, i32
  }
}

</mosaic_0001>

<sc_bundles>
// kernel: kernel.4.cloned.1.call-start
scs
__scs_entry_jumppad:
0x0: {  	(pc) =	sbr.rel $0x88, $3  }
0x1: {  	(tag) =	ssettag $0x0;
	lr =	simm.s32 $0x1  }
0x2: {  	[smem:$0x3F9E] =	sst lr;
	_ =	strace $0xD0000000  }
0x3: {  	_ = 	snop  }
0x4: {  	_ = 	snop  }
0x5: {  	_ = 	snop  }
0x6: {  	_ = 	snop  }
0x7: {  	_ = 	snop  }
__scs_overlays_trampoline_lowered:
0x8: {  	[smem:$0x3FAD] =	sst s0  }
0x9: {  	[smem:$0x3FAE] =	sst s1  }
0xa: {  	[smem:$0x3FAF] =	sst s2  }
0xb: {  	[smem:$0x3FB0] =	sst s3  }
0xc: {  	[smem:$0x3FB1] =	sst s4  }
0xd: {  	[smem:$0x3FB2] =	sst s5  }
0xe: {  	[smem:$0x3FB3] =	sst s6  }
0xf: {  	[smem:$0x3FB4] =	sst s7  }
0x10: {  	[smem:$0x3FB5] =	sst s8  }
0x11: {  	[smem:$0x3FB6] =	sst s9;
	s0 =	simm.s32 @!p0 $0x0  }
0x12: {  	s1 =	sld [smem:$0x3F9C];
	s0 =	simm.s32 @p0 $0x1  }
0x13: {  	[smem:$0x3FB7] =	sst s0;
	s0 =	simm.s32 @!p1 $0x0  }
0x14: {  	s2 =	sld [smem:$0x3F9B];
	s0 =	simm.s32 @p1 $0x1  }
0x15: {  	[smem:$0x3FB8] =	sst s0;
	s0 =	simm.s32 @!p2 $0x0  }
0x16: {  	s3 =	sld [smem:$0x3FDB];
	s0 =	simm.s32 @p2 $0x1  }
0x17: {  	s4 =	simm.s32 $0x1BF5;
	[smem:$0x3FBA] =	sst s0  }
0x18: {  	s0 =	sld [smem:$0x3F9D];
	_ =	swait.ge [sflag:s4], $0x0  }
0x19: {  	s7 =	sld [smem:$0x3F9E]  }
0x1a: {  	s8 =	sadd.s32 $0xFFFFE003, lr  }
0x1b: {  	s9 =	sadd.s32 $0xFFFFFEF7, lr;
	s5 =	simm.s32 $0xFFFFFFFF;
	p2 =	slt.u32 s8, $0xFFFFF086  }
0x1c: {  	p1 =	slt.u32 s9, $0xF7A;
	s5 =	simm.s32 @!p2 $0x0  }
0x1d: {  	s5 =	simm.s32 @p1 $0x1;
	p0 =	seq.s32 s7, s2  }
0x1e: {  	s7 =	smul.u32 @!p0 $0xF7A, s2;
	p2 =	seq.s32 @!p0 s5, $0x0  }
0x1f: {  	s9 =	smul.u32 $0xF7A, s1;
	s8 =	simm.s32 @!p0 $0x1BF5;
	p2 =	por !p2, p0  }
0x20: {  	[sflag:s8] =	ssyncset.s32 @!p0 $0xFFFFF086;
	s6 =	sadd.s32 @!p0 s3, s7;
	s7 =	simm.s32 @!p0 $0x108  }
0x21: {  	s3 =	sadd.s32 s3, s9;
	s6 =	sadd.s32 @!p0 $0x88, s6;
	s7 =	simm.s32 @p2 $0x1082  }
0x22: {  	[simem:s7], [sflag:s8] =	dma.local @!p0 [hbm:s6], $0xF7A  }
0x23: {  	s9 =	sor.u32 $0xD0000000, s2;
	s6 =	simm.s32 $0x108;
	_ =	swait.ge @!p0 [sflag:s8], $0x0  }
0x24: {  	s3 =	sadd.s32 $0x88, s3;
	s6 =	simm.s32 @!p1 $0x1082;
	[sflag:s4] =	ssyncset.s32 $0xFFFFF086  }
0x25: {  	[simem:s6], [sflag:s4] =	dma.local [hbm:s3], $0xF7A  }
0x26: {  	[smem:$0x3F9E] =	sst s1;
	(tag) =	ssettag s2;
	_ =	strace s9  }
0x27: {  	s1 =	sld [smem:$0x3FAE]  }
0x28: {  	s2 =	sld [smem:$0x3FAF]  }
0x29: {  	s4 =	sld [smem:$0x3FB1]  }
0x2a: {  	p0 =	seq.s32 s5, $0x0;
	s5 =	sld [smem:$0x3FB2]  }
0x2b: {  	s6 =	sld [smem:$0x3FB3]  }
0x2c: {  	s7 =	sld [smem:$0x3FB4]  }
0x2d: {  	s3 =	simm.s32 $0x108;
	s8 =	sld [smem:$0x3FB5]  }
0x2e: {  	s3 =	simm.s32 @!p0 $0x1082;
	s9 =	sld [smem:$0x3FB6]  }
0x2f: {  	lr =	sadd.s32 s0, s3;
	s0 =	sld [smem:$0x3FAD]  }
0x30: {  	s3 =	sld [smem:$0x3FB0]  }
0x31: {  	[smem:$0x3FB9] =	sst s10  }
0x32: {  	s10 =	sld [smem:$0x3FB7];
	_ =	sdelay $0x3  }
0x33: {  	p0 =	seq.s32 s10, $0x1;
	s10 =	sld [smem:$0x3FB9];
	_ =	sdelay $0x3  }
0x34: {  	[smem:$0x3FB9] =	sst s10  }
0x35: {  	s10 =	sld [smem:$0x3FB8];
	_ =	sdelay $0x3  }
0x36: {  	p1 =	seq.s32 s10, $0x1;
	s10 =	sld [smem:$0x3FB9];
	_ =	sdelay $0x3  }
0x37: {  	[smem:$0x3FB9] =	sst s10  }
0x38: {  	s10 =	sld [smem:$0x3FBA]  }
0x39: {  	_ = 	snop;
	(pc) =	sbr.ind lr, $3  }
0x3a: {  	_ = 	snop  }
0x3b: {  	_ = 	snop  }
0x3c: {  	p2 =	seq.s32 s10, $0x1;
	s10 =	sld [smem:$0x3FB9]  }
0x3d: {  	_ =	shalt  }
0x3e: {  	_ =	shalt  }
0x3f: {  	_ =	shalt  }
0x40: {  	_ =	shalt  }
0x41: {  	_ =	shalt  }
0x42: {  	_ =	shalt  }
0x43: {  	_ =	shalt  }
0x44: {  	_ =	shalt  }
0x45: {  	_ =	shalt  }
0x46: {  	_ =	shalt  }
0x47: {  	_ =	shalt  }
0x48: {  	_ =	shalt  }
0x49: {  	_ =	shalt  }
0x4a: {  	_ =	shalt  }
0x4b: {  	_ =	shalt  }
0x4c: {  	_ =	shalt  }
0x4d: {  	_ =	shalt  }
0x4e: {  	_ =	shalt  }
0x4f: {  	_ =	shalt  }
0x50: {  	_ =	shalt  }
0x51: {  	_ =	shalt  }
0x52: {  	_ =	shalt  }
0x53: {  	_ =	shalt  }
0x54: {  	_ =	shalt  }
0x55: {  	_ =	shalt  }
0x56: {  	_ =	shalt  }
0x57: {  	_ =	shalt  }
0x58: {  	_ =	shalt  }
0x59: {  	_ =	shalt  }
0x5a: {  	_ =	shalt  }
0x5b: {  	_ =	shalt  }
0x5c: {  	_ =	shalt  }
0x5d: {  	_ =	shalt  }
0x5e: {  	_ =	shalt  }
0x5f: {  	_ =	shalt  }
0x60: {  	_ =	shalt  }
0x61: {  	_ =	shalt  }
0x62: {  	_ =	shalt  }
0x63: {  	_ =	shalt  }
0x64: {  	_ =	shalt  }
0x65: {  	_ =	shalt  }
0x66: {  	_ =	shalt  }
0x67: {  	_ =	shalt  }
0x68: {  	_ =	shalt  }
0x69: {  	_ =	shalt  }
0x6a: {  	_ =	shalt  }
0x6b: {  	_ =	shalt  }
0x6c: {  	_ =	shalt  }
0x6d: {  	_ =	shalt  }
0x6e: {  	_ =	shalt  }
0x6f: {  	_ =	shalt  }
0x70: {  	_ =	shalt  }
0x71: {  	_ =	shalt  }
0x72: {  	_ =	shalt  }
0x73: {  	_ =	shalt  }
0x74: {  	_ =	shalt  }
0x75: {  	_ =	shalt  }
0x76: {  	_ =	shalt  }
0x77: {  	_ =	shalt  }
0x78: {  	_ =	shalt  }
0x79: {  	_ =	shalt  }
0x7a: {  	_ =	shalt  }
0x7b: {  	_ =	shalt  }
0x7c: {  	_ =	shalt  }
0x7d: {  	_ =	shalt  }
0x7e: {  	_ =	shalt  }
0x7f: {  	_ =	shalt  }
0x80: {  	_ =	shalt  }
0x81: {  	_ =	shalt  }
0x82: {  	_ =	shalt  }
0x83: {  	_ =	shalt  }
0x84: {  	_ =	shalt  }
0x85: {  	_ =	shalt  }
0x86: {  	_ =	shalt  }
0x87: {  	_ =	shalt  }
.Lfunc_end0:
.L_simem_size_0:
called_computation_lowered:
.L_overlay_start_0:
0x88: {  	s2 =	sld [smem:$0x3FD9]  }
0x89: {  	s3 =	sld [smem:$0x3FFE];
	_ =	sdelay $0x1  }
0x8a: {  	s1 =	srdreg.scid  }
0x8b: {  	s0 =	sand.u32 $0x1, s1  }
0x8c: {  	s17 =	sshll.u32 s0, $0xA;
	s2 =	sadd.s32 s3, s2  }
0x8d: {  	s2 =	sadd.s32 s2, s17  }
0x8e: {  	[smem:$0x3FC5] =	sst s2  }
0x8f: {  	_ = 	snop  }
0x90: {  	s2 =	sld [smem:$0x3FC7]  }
0x91: {  	s18 =	sld [smem:$0x3FD0];
	(tm) =	ssettm $0x1  }
0x92: {  	s4 =	sld [smem:$0x3FFB];
	_ =	sdelay $0x3  }
0x93: {  	_ =	strace s4  }
0x94: {  	s4 =	sld [smem:$0x3FFC];
	_ =	sdelay $0x3  }
0x95: {  	_ =	strace s4  }
0x96: {  	s4 =	sld [smem:$0x3FFD];
	_ =	sdelay $0x3  }
0x97: {  	_ =	strace s4  }
0x98: {  	_ =	strace $0x8FFFFFFF  }
0x99: {  	s19 =	sld [smem:$0x3FDB];
	_ =	sdelay $0x1  }
0x9a: {  	s5 =	simm.s32 $_scs_section_size  }
0x9b: {  	s6 =	simm.s32 $_size__tile_overlayer_lowered;
	s7 =	simm.s32 $_tile_overlayer_lowered  }
0x9c: {  	s22 =	simm.s32 $0x1BFF;
	s21 =	sshll.u32 s7, $0x1;
	s4 =	sadd.s32 s5, s19  }
0x9d: {  	s8 =	simm.s32 $0x0;
	s20 =	sshll.u32 s6, $0x1;
	s6 =	sadd.s32 s21, s4  }
0x9e: {  	[timem:s8], [sflag:s22] =	dma.local [hbm:s6], s20  }
0x9f: {  	_ =	swait.ge [sflag:s22], s20  }
0xa0: {  	s5 =	ssub.s32 $0x0, s20;
	[sflag:s22] =	ssyncset.done $0x0  }
0xa1: {  	[sflag:s22] =	ssyncadd.s32 s5;
	_ =	sdelay $0x1  }
0xa2: {  	s23 =	simm.s32 $0x1B8B  }
0xa3: {  	_ =	swait.ge [sflag:s23], $0x1  }
0xa4: {  	[sflag:s23] =	ssyncset.done $0x0  }
0xa5: {  	s25 =	simm.s32 $0x1B8E;
	s24 =	sld [smem:$0x3FFE];
	[sflag:s23] =	ssyncadd.s32 $0xFFFFFFFF  }
0xa6: {  	s26 =	simm.s32 $execute0_lowered;
	[smem:$0x3FD2] =	sst s25  }
0xa7: {  	s6 =	sshll.u32 s26, $0x1;
	_ =	strace $0x80000046;
	[dreg:$0x1] =	wrdreg $0xFFFFFFFF  }
0xa8: {  	s28 =	simm.s32 $_size_execute0_lowered;
	s4 =	sadd.s32 s4, s6;
	[dreg:$0x0] =	wrdreg $0x0  }
0xa9: {  	s6 =	sshll.u32 s28, $0x1;
	[dreg:$0x2] =	wrdreg s4  }
0xaa: {  	[dreg:$0x3] =	wrdreg s6  }
0xab: {  	[dreg:$0x4] =	wrdreg $0xC0  }
0xac: {  	_ =	task [dreg:s8], $0x5FFFF  }
0xad: {  	[dreg:$0x1] =	wrdreg $0xFFFFFFFF  }
0xae: {  	[dreg:$0x0] =	wrdreg $0x60  }
0xaf: {  	[dreg:$0x2] =	wrdreg s2  }
0xb0: {  	[dreg:$0x3] =	wrdreg s18  }
0xb1: {  	[dreg:$0x4] =	wrdreg s24  }
0xb2: {  	[dreg:$0x5] =	wrdreg $0x9  }
0xb3: {  	_ =	task.clear_ibuf [dreg:s8], $0x6FFFF;
	_ =	strace $0x90000046  }
0xb4: {  	s29 =	simm.s32 $0x9;
	_ =	strace $0x80000048  }
0xb5: {  	_ =	swait.ge [sflag:s29], $0x1  }
0xb6: {  	[sflag:s29] =	ssyncadd.s32 $0xFFFFFFFF  }
0xb7: {  	_ =	strace $0x90000048  }
0xb8: {  	_ =	sfence  }
0xb9: {  	s30 =	sld [smem:$0x0];
	_ =	sdelay $0x2  }
0xba: {  	s31 =	sshll.u32 s1, $0xD;
	s1 =	sshrl.u32 s1, $0x2  }
0xbb: {  	s3 =	sand.u32 $0x4000, s31;
	s1 =	sadd.s32 s1, s30  }
0xbc: {  	s0 =	sor.u32 s3, s0;
	s1 =	sshll.u32 s1, $0x11  }
0xbd: {  	s0 =	sor.u32 s1, s0  }
0xbe: {  	s0 =	sadd.s32 $0x8F2B, s0  }
0xbf: {  	[sflag:s0] =	ssyncadd.remote.s32 $0x1  }
0xc0: {  	_ =	sfence.sel $0xFFFF  }
0xc1: {  	[dreg:$0x0] =	wrdreg $0xFFFFFFFF;
	(pc) =	sbr.abs _section_cstart, $3  }
0xc2: {  	[dreg:$0x1] =	wrdreg $0xFFFFFFFF  }
0xc3: {  	_ =	task.clear_ibuf [dreg:s8], $0x2FFFF;
	_ =	strace $0x9FFFFFFF  }
0xc4: {  	(tm) =	ssettm $0x7FFFFFFF  }
0xc5: {  	_ =	shalt  }
tec
execute0_lowered:
.L_overlay_start_1:
0x0: {  	(tag) =	ssettag $0x1  }
0x1: {  	s1 =	rddreg [dreg:$0x0]  }
0x2: {  	s4 =	rddreg [dreg:$0x1]  }
0x3: {  	s9 =	rddreg [dreg:$0x2];
	s2 =	srdreg.scid  }
0x4: {  	s0 =	rddreg [dreg:$0x3];
	s13 =	sand.u32 $0x1, s2  }
0x5: {  	s3 =	simm.s32 $0x0;
	s2 =	stileid.u32;
	s5 =	sshll.u32 s13, $0x6  }
0x6: {  	[smem:$0x7FF] =	sst s3;
	s6 =	sshll.u32 s2, $0x7;
	s4 =	sadd.s32 s4, s5  }
0x7: {  	_ =	strace $0x80000047;
	s5 =	sadd.s32 s6, s4;
	s4 =	simm.s32 $0x2  }
0x8: {  	[tilespmem:s3], [sflag:$0x2] =	stream.linear.gather [hbm4b:s5+s3], $0x200, $0x38;
	[tilespmem:$0x4200] =	vst v63  }
0x9: {  	s7 =	simm.s32 $0x200;
	_ =	swait.ge [sflag:s4], $0x200  }
0xa: {  	s8 =	simm.s32 $0x1;
	s10 =	sshll.u32 s2, $0xE;
	[sflag:s4] =	ssyncset.done $0x0  }
0xb: {  	s11 =	sshll.u32 s13, $0xD;
	s6 =	simm.s32 $0x80;
	[sflag:s4] =	ssyncadd.s32 $0xFFFFFE00  }
0xc: {  	[tilespmem:s7], [sflag:$0x1] =	stream.indirect.gather [hbm4b:s1+s6], $0x80, s3, s6, $0xb8;
	[tilespmem:$0x4200] =	vst v63  }
0xd: {  	s10 =	sor.u32 s11, s10;
	_ =	swait.ge [sflag:s8], $0x4000  }
0xe: {  	s14 =	sadd.s32 s10, s9;
	[sflag:s8] =	ssyncset.done $0x0  }
0xf: {  	s9 =	sadd.s32 $0x200, s14;
	[sflag:s8] =	ssyncadd.s32 $0xFFFFC000  }
0x10: {  	[hbm4b:s9+s3] =	stream.linear.scatter [tilespmem:s7], [sflag:$0x2], $0x4000, $0x38;
	[tilespmem:$0x4200] =	vst v63  }
0x11: {  	_ =	swait.ge [sflag:s4], $0x4000  }
0x12: {  	[sflag:s4] =	ssyncset.done $0x0  }
0x13: {  	[sflag:s4] =	ssyncadd.s32 $0xFFFFC000  }
0x14: {  	[tilespmem:s7], [sflag:$0x1] =	stream.indirect.gather [hbm4b:s1+s6], $0x80, s6, s6, $0xb8;
	[tilespmem:$0x4200] =	vst v63  }
0x15: {  	_ =	swait.ge [sflag:s8], $0x4000  }
0x16: {  	[sflag:s8] =	ssyncset.done $0x0  }
0x17: {  	s10 =	sadd.s32 $0xA00, s14;
	[sflag:s8] =	ssyncadd.s32 $0xFFFFC000  }
0x18: {  	[hbm4b:s10+s3] =	stream.linear.scatter [tilespmem:s7], [sflag:$0x2], $0x4000, $0x38;
	[tilespmem:$0x4200] =	vst v63  }
0x19: {  	_ =	swait.ge [sflag:s4], $0x4000  }
0x1a: {  	[sflag:s4] =	ssyncset.done $0x0  }
0x1b: {  	s11 =	simm.s32 $0x100;
	[sflag:s4] =	ssyncadd.s32 $0xFFFFC000  }
0x1c: {  	[tilespmem:s7], [sflag:$0x1] =	stream.indirect.gather [hbm4b:s1+s6], $0x80, s11, s6, $0xb8;
	[tilespmem:$0x4200] =	vst v63  }
0x1d: {  	_ =	swait.ge [sflag:s8], $0x4000  }
0x1e: {  	[sflag:s8] =	ssyncset.done $0x0  }
0x1f: {  	s15 =	ssub.s32 $0x2, s13;
	s12 =	sadd.s32 $0x1200, s14;
	[sflag:s8] =	ssyncadd.s32 $0xFFFFC000  }
0x20: {  	[hbm4b:s12+s3] =	stream.linear.scatter [tilespmem:s7], [sflag:$0x2], $0x4000, $0x38;
	[tilespmem:$0x4200] =	vst v63  }
0x21: {  	s16 =	sshrl.u32 s15, $0x1;
	_ =	swait.ge [sflag:s4], $0x4000  }
0x22: {  	s15 =	ssub.s32 s15, s16;
	[sflag:s4] =	ssyncset.done $0x0  }
0x23: {  	s13 =	simm.s32 $0x180;
	s15 =	smax.u32 s15, $0x1;
	[sflag:s4] =	ssyncadd.s32 $0xFFFFC000  }
0x24: {  	[tilespmem:s7], [sflag:$0x1] =	stream.indirect.gather [hbm4b:s1+s6], $0x80, s13, s6, $0xb8;
	[tilespmem:$0x4200] =	vst v63  }
0x25: {  	p0 =	sne.s32 s15, $0x1;
	_ =	swait.ge [sflag:s8], $0x4000  }
.Ltmp0:
0x26: {  	[sflag:s8] =	ssyncset.done $0x0;
	(pc) =	sbr.rel @!p0 .LBB2_2-.Ltmp0, $4  }
0x27: {  	s14 =	sadd.s32 $0x1A00, s14;
	[sflag:s8] =	ssyncadd.s32 $0xFFFFC000  }
0x28: {  	[hbm4b:s14+s3] =	stream.linear.scatter [tilespmem:s7], [sflag:$0x2], $0x4000, $0x38;
	[tilespmem:$0x4200] =	vst v63  }
0x29: {  	_ =	swait.ge [sflag:s4], $0x4000  }
0x2a: {  	s15 =	sadd.s32 $0xFFFFFFFF, s15;
	[sflag:s4] =	ssyncset.done $0x0  }
.LBB2_1:
0x2b: {  	p0 =	sne.s32 s15, $0x1;
	s15 =	sadd.s32 $0xFFFFFFFF, s15;
	[sflag:s4] =	ssyncadd.s32 $0xFFFFC000  }
0x2c: {  	[tilespmem:s3], [sflag:$0x2] =	stream.linear.gather [hbm4b:s5+s3], $0x200, $0x38;
	[tilespmem:$0x4200] =	vst v63  }
0x2d: {  	_ =	swait.ge [sflag:s4], $0x200  }
0x2e: {  	[sflag:s4] =	ssyncset.done $0x0  }
0x2f: {  	[sflag:s4] =	ssyncadd.s32 $0xFFFFFE00  }
0x30: {  	[tilespmem:s7], [sflag:$0x1] =	stream.indirect.gather [hbm4b:s1+s6], $0x80, s3, s6, $0xb8;
	[tilespmem:$0x4200] =	vst v63  }
0x31: {  	_ =	swait.ge [sflag:s8], $0x4000  }
0x32: {  	[sflag:s8] =	ssyncset.done $0x0  }
0x33: {  	[sflag:s8] =	ssyncadd.s32 $0xFFFFC000  }
0x34: {  	[hbm4b:s9+s3] =	stream.linear.scatter [tilespmem:s7], [sflag:$0x2], $0x4000, $0x38;
	[tilespmem:$0x4200] =	vst v63  }
0x35: {  	_ =	swait.ge [sflag:s4], $0x4000  }
0x36: {  	[sflag:s4] =	ssyncset.done $0x0  }
0x37: {  	[sflag:s4] =	ssyncadd.s32 $0xFFFFC000  }
0x38: {  	[tilespmem:s7], [sflag:$0x1] =	stream.indirect.gather [hbm4b:s1+s6], $0x80, s6, s6, $0xb8;
	[tilespmem:$0x4200] =	vst v63  }
0x39: {  	_ =	swait.ge [sflag:s8], $0x4000  }
0x3a: {  	[sflag:s8] =	ssyncset.done $0x0  }
0x3b: {  	[sflag:s8] =	ssyncadd.s32 $0xFFFFC000  }
0x3c: {  	[hbm4b:s10+s3] =	stream.linear.scatter [tilespmem:s7], [sflag:$0x2], $0x4000, $0x38;
	[tilespmem:$0x4200] =	vst v63  }
0x3d: {  	_ =	swait.ge [sflag:s4], $0x4000  }
0x3e: {  	[sflag:s4] =	ssyncset.done $0x0  }
0x3f: {  	[sflag:s4] =	ssyncadd.s32 $0xFFFFC000  }
0x40: {  	[tilespmem:s7], [sflag:$0x1] =	stream.indirect.gather [hbm4b:s1+s6], $0x80, s11, s6, $0xb8;
	[tilespmem:$0x4200] =	vst v63  }
0x41: {  	_ =	swait.ge [sflag:s8], $0x4000  }
0x42: {  	[sflag:s8] =	ssyncset.done $0x0  }
0x43: {  	[sflag:s8] =	ssyncadd.s32 $0xFFFFC000  }
0x44: {  	[hbm4b:s12+s3] =	stream.linear.scatter [tilespmem:s7], [sflag:$0x2], $0x4000, $0x38;
	[tilespmem:$0x4200] =	vst v63  }
0x45: {  	_ =	swait.ge [sflag:s4], $0x4000  }
0x46: {  	[sflag:s4] =	ssyncset.done $0x0  }
0x47: {  	[sflag:s4] =	ssyncadd.s32 $0xFFFFC000  }
0x48: {  	[tilespmem:s7], [sflag:$0x1] =	stream.indirect.gather [hbm4b:s1+s6], $0x80, s13, s6, $0xb8;
	[tilespmem:$0x4200] =	vst v63  }
0x49: {  	_ =	swait.ge [sflag:s8], $0x4000  }
.Ltmp1:
0x4a: {  	[sflag:s8] =	ssyncset.done $0x0;
	(pc) =	sbr.rel @p0 .LBB2_1-.Ltmp1, $4  }
0x4b: {  	[sflag:s8] =	ssyncadd.s32 $0xFFFFC000  }
0x4c: {  	[hbm4b:s14+s3] =	stream.linear.scatter [tilespmem:s7], [sflag:$0x2], $0x4000, $0x38;
	[tilespmem:$0x4200] =	vst v63  }
0x4d: {  	_ =	swait.ge [sflag:s4], $0x4000  }
0x4e: {  	[sflag:s4] =	ssyncset.done $0x0  }
.LBB2_2:
0x4f: {  	[sflag:s4] =	ssyncadd.s32 $0xFFFFC000  }
0x50: {  	_ =	sfence.sel $0x180000  }
0x51: {  	[bflag:$0x0] =	sbarrier.arrive $0xFFFF  }
0x52: {  	p0 =	sne.s32 s2, $0x0;
	_ =	strace $0x90000047  }
0x53: {  	s0 =	sadd.s32 @!p0 $0x100000, s0;
	[bflag:$0x2] =	sbarrier.arrive $0xFFFF  }
0x54: {  	[sflag:s0] =	ssyncadd.tile.s32 @!p0 $0x1;
	_ =	shalt  }
.Lfunc_end2:
_tile_overlayer_lowered:
.L_overlay_start_2:
0x55: {  	(tag) =	ssettag $0x2  }
0x56: {  	s0 =	rddreg [dreg:$0x0];
	s2 =	stileid.u32  }
0x57: {  	s1 =	rddreg [dreg:$0x1];
	p0 =	sne.s32 s2, $0x0  }
0x58: {  	s3 =	rddreg [dreg:$0x2];
	[bflag:$0x3] =	sbarrier.arrive $0xFFFF;
	s2 =	simm.s32 @!p0 $0x1C02  }
0x59: {  	[timem:s3], [sflag:s2] =	dma.local @!p0 [hbm:s0], s1  }
0x5a: {  	s0 =	simm.s32 @!p0 $0x2  }
0x5b: {  	_ =	swait.ge @!p0 [sflag:s0], s1  }
0x5c: {  	s1 =	ssub.s32 @!p0 $0x0, s1;
	[sflag:s0] =	ssyncset.done @!p0 $0x0  }
0x5d: {  	[sflag:s0] =	ssyncadd.s32 @!p0 s1  }
0x5e: {  	[bflag:$0x3] =	sbarrier.arrive $0xFFFF  }
0x5f: {  	_ =	shalt  }

</sc_bundles>
